<compile_context>
chip_gen: v7x
topology: tpu7x:2x2x1
jax: 0.10.2.dev20260603
libtpu: 0.0.44.dev20260713+nightly
codegen_flags: <defaults>
</compile_context>

<pallas_src>
import functools

import jax
import jax.numpy as jnp
from jax import lax
from jax.experimental import pallas as pl
from jax.experimental.pallas import tpu as pltpu
from jax.experimental.pallas import tpu_sc as plsc

MAXLEN = 200
EMBED = 64
BATCH = 1024
VOCAB = 1000000

_INFO = plsc.get_sparse_core_info()
NC = _INFO.num_cores
NS = _INFO.num_subcores
NW = NC * NS
L = 16

_PARAMS = pltpu.CompilerParams(
    use_tc_tiling_on_sc=True, needs_layout_passes=False)
_MESH = dict(core_axis_name="c", subcore_axis_name="s")

NBB = BATCH // 128
NTB = NW // NBB
TROWS = MAXLEN // NTB


def _gather_body(scr, xt, posp, out_t, xv, posv, gidx, colb, posbuf,
                 gbuf, obuf, gsem, osem):
    wid = lax.axis_index("s") * NC + lax.axis_index("c")
    tb = wid // NBB
    bb = wid % NBB
    b0 = pl.multiple_of(bb * 128, 128)
    t0 = tb * TROWS
    iota = lax.iota(jnp.int32, L)

    pltpu.sync_copy(xt.at[:, pl.ds(b0, 128)], xv)
    pltpu.sync_copy(posp, posv)

    def fire_gather(i, p):
        t = t0 + i
        for g in range(8):
            sl = pl.ds(g * L, L)
            v = xv[t, sl]
            gidx[sl] = lax.shift_right_logical(v, 1)
        pltpu.async_copy(scr.at[gidx], gbuf.at[p], gsem.at[p])

    def t_body(i, carry):
        p = lax.rem(i, 2)
        t = t0 + i
        pltpu.make_async_copy(scr.at[gidx], gbuf.at[p], gsem.at[p]).wait()
        cb_local = []
        for g in range(8):
            v = xv[t, pl.ds(g * L, L)]
            cb_local.append(lax.mul(lax.bitwise_and(v, 1), EMBED))
        for dd in range(EMBED // L):
            pv = posv[t, pl.ds(dd * L, L)]
            for k in range(L):
                kvec = jnp.full((L,), k, jnp.int32)
                posbuf[dd * L + k, pl.ds(0, L)] = pv.at[kvec].get(
                    mode="promise_in_bounds")
        @pl.when(i + 1 < TROWS)
        def _():
            fire_gather(i + 1, 1 - p)
        @pl.when(i >= 2)
        def _():
            pltpu.make_async_copy(
                obuf.at[p], out_t.at[t, :, pl.ds(b0, 128)], osem.at[p]).wait()
        @plsc.parallel_loop(0, EMBED, unroll=4)
        def _(d):
            pvec = posbuf[d, pl.ds(0, L)]
            for g in range(8):
                sl = pl.ds(g * L, L)
                jv = iota + g * L
                cv = cb_local[g] + d
                vals = plsc.load_gather(gbuf.at[p], [jv, cv])
                obuf[p, d, sl] = vals + pvec
        pltpu.async_copy(obuf.at[p], out_t.at[t, :, pl.ds(b0, 128)],
                         osem.at[p])
        return carry

    fire_gather(0, 0)
    lax.fori_loop(0, TROWS, t_body, 0)
    t_last = t0 + TROWS - 1
    pltpu.make_async_copy(
        obuf.at[lax.rem(TROWS, 2)],
        out_t.at[t_last, :, pl.ds(b0, 128)],
        osem.at[lax.rem(TROWS, 2)]).wait()
    pltpu.make_async_copy(
        obuf.at[lax.rem(TROWS + 1, 2)],
        out_t.at[t_last, :, pl.ds(b0, 128)],
        osem.at[lax.rem(TROWS + 1, 2)]).wait()


@functools.partial(jax.jit, static_argnames=())
def kernel(x, token_table, pos_table):
    xt = x.T.astype(jnp.int32)
    posp = jnp.pad(pos_table, ((0, 0), (0, 64)))

    scratch = token_table.reshape(VOCAB // 2, 2 * EMBED)

    gather = pl.kernel(
        _gather_body,
        out_type=jax.ShapeDtypeStruct((MAXLEN, EMBED, BATCH), jnp.float32),
        mesh=plsc.VectorSubcoreMesh(**_MESH),
        compiler_params=_PARAMS,
        scratch_types=[
            pltpu.VMEM((MAXLEN, 128), jnp.int32),
            pltpu.VMEM((MAXLEN, 128), jnp.float32),
            pltpu.VMEM((128,), jnp.int32),
            pltpu.VMEM((128,), jnp.int32),
            pltpu.VMEM((EMBED, 128), jnp.float32),
            pltpu.VMEM((2, 128, 128), jnp.float32),
            pltpu.VMEM((2, EMBED, 128), jnp.float32),
            pltpu.SemaphoreType.DMA((2,)),
            pltpu.SemaphoreType.DMA((2,)),
        ],
    )
    out_t = gather(scratch, xt, posp)
    return out_t.transpose(2, 0, 1)

# --- scband reference (transcript-rebuilt; emitter-appended) ---
"""Pipeline reference for scband-token-and-position-embedding-86174223827225 (READ-ONLY COPY).

The authoritative reference and input builder live on the scoring server;
editing this copy changes nothing except your own understanding.
"""

import jax, jax.numpy as jnp
import numpy as np

MAXLEN = 200
VOCAB = 1000000
EMBED = 64
BATCH = 1024

def setup_inputs(seed: int = 0) -> dict:
    key = jax.random.key(seed)
    k1, k2, k3 = jax.random.split(key, 3)
    x = jax.random.randint(k1, (BATCH, MAXLEN), 0, VOCAB, dtype=jnp.int64 if jax.config.jax_enable_x64 else jnp.int32)
    token_table = jax.random.normal(k2, (VOCAB, EMBED), dtype=jnp.float32)
    pos_table = jax.random.normal(k3, (MAXLEN, EMBED), dtype=jnp.float32)
    return {"x": x, "token_table": token_table, "pos_table": pos_table}

def reference(x, token_table, pos_table):
    positions = jnp.arange(MAXLEN)
    pos = jnp.take(pos_table, positions, axis=0)  # [MAXLEN, EMBED]
    tok = jnp.take(token_table, x, axis=0)        # [BATCH, MAXLEN, EMBED]
    return tok + pos[None, :, :]

if __name__ == "__main__":
    import jax
    _d = setup_inputs()
    print(jax.jit(kernel)(*tuple(_d.values())))

</pallas_src>

<mosaic_0001>
#map = affine_map<(d0, d1) -> (0, 0)>
#map1 = affine_map<(d0, d1) -> (0, 0, 0)>
module attributes {stable_mosaic.version = 14 : i64} {
  func.func @_gather_body(%arg0: i32, %arg1: i32, %arg2: memref<500000x128xf32, #tpu.memory_space<hbm>>, %arg3: memref<200x1024xi32, #tpu.memory_space<hbm>>, %arg4: memref<200x128xf32, #tpu.memory_space<hbm>>, %arg5: memref<200x64x1024xf32, #tpu.memory_space<hbm>>, %arg6: memref<200x128xi32, #tpu.memory_space<vmem>>, %arg7: memref<200x128xf32, #tpu.memory_space<vmem>>, %arg8: memref<128xi32, #tpu.memory_space<vmem>>, %arg9: memref<128xi32, #tpu.memory_space<vmem>>, %arg10: memref<64x128xf32, #tpu.memory_space<vmem>>, %arg11: memref<2x128x128xf32, #tpu.memory_space<vmem>>, %arg12: memref<2x64x128xf32, #tpu.memory_space<vmem>>, %arg13: memref<2x!tpu.dma_semaphore, #tpu.memory_space<semaphore_mem>>, %arg14: memref<2x!tpu.dma_semaphore, #tpu.memory_space<semaphore_mem>>) attributes {dimension_semantics = [#tpu.dimension_semantics<core_parallel>, #tpu.dimension_semantics<subcore_parallel>], iteration_bounds = array<i64: 2, 16>, scalar_prefetch = 0 : i64, scratch_operands = 9 : i64, tpu.core_type = #tpu.core_type<sc_vector_subcore>, window_params = [{transform_indices = #map}, {transform_indices = #map}, {transform_indices = #map}, {transform_indices = #map1}]} {
    %mul3A = arith.constant 2 : i32
    %mul3A_0 = arith.muli %arg1, %mul3A : i32
    %add3A = arith.addi %mul3A_0, %arg0 : i32
    %jit3A = arith.constant 8 : i32
    %div3A = arith.divsi %add3A, %jit3A : i32
    %sign3A = arith.constant 0 : i32
    %sign3A_1 = arith.cmpi sgt, %add3A, %sign3A : i32
    %sign3A_2 = arith.extui %sign3A_1 : i1 to i32
    %sign3A_3 = arith.constant 0 : i32
    %sign3A_4 = arith.cmpi slt, %add3A, %sign3A_3 : i32
    %sign3A_5 = arith.extui %sign3A_4 : i1 to i32
    %sign3A_6 = arith.subi %sign3A_2, %sign3A_5 : i32
    %sign3A_7 = arith.constant 0 : i32
    %sign3A_8 = arith.cmpi sgt, %jit3A, %sign3A_7 : i32
    %sign3A_9 = arith.extui %sign3A_8 : i1 to i32
    %sign3A_10 = arith.constant 0 : i32
    %sign3A_11 = arith.cmpi slt, %jit3A, %sign3A_10 : i32
    %sign3A_12 = arith.extui %sign3A_11 : i1 to i32
    %sign3A_13 = arith.subi %sign3A_9, %sign3A_12 : i32
    %ne3A = arith.cmpi ne, %sign3A_6, %sign3A_13 : i32
    %rem3A = arith.remsi %add3A, %jit3A : i32
    %ne3A_14 = arith.constant 0 : i32
    %ne3A_15 = arith.cmpi ne, %rem3A, %ne3A_14 : i32
    %and3A = arith.andi %ne3A, %ne3A_15 : i1
    %sub3A = arith.constant 1 : i32
    %sub3A_16 = arith.subi %div3A, %sub3A : i32
    %select_n3A = arith.select %and3A, %sub3A_16, %div3A : i32
    %jit3A_17 = arith.constant 8 : i32
    %eq3A = arith.constant 0 : i32
    %eq3A_18 = arith.cmpi eq, %jit3A_17, %eq3A : i32
    %jit3A_19 = arith.constant 1 : i32
    %select_n3A_20 = arith.select %eq3A_18, %jit3A_19, %jit3A_17 : i32
    %rem3A_21 = arith.remsi %add3A, %select_n3A_20 : i32
    %ne3A_22 = arith.constant 0 : i32
    %ne3A_23 = arith.cmpi ne, %rem3A_21, %ne3A_22 : i32
    %lt3A = arith.constant 0 : i32
    %lt3A_24 = arith.cmpi slt, %rem3A_21, %lt3A : i32
    %lt3A_25 = arith.constant 0 : i32
    %lt3A_26 = arith.cmpi slt, %select_n3A_20, %lt3A_25 : i32
    %ne3A_27 = arith.xori %lt3A_24, %lt3A_26 : i1
    %and3A_28 = arith.andi %ne3A_27, %ne3A_23 : i1
    %add3A_29 = arith.addi %rem3A_21, %select_n3A_20 : i32
    %select_n3A_30 = arith.select %and3A_28, %add3A_29, %rem3A_21 : i32
    %mul3A_31 = arith.constant 128 : i32
    %mul3A_32 = arith.muli %select_n3A_30, %mul3A_31 : i32
    %multiple_of3A = tpu.assume_multiple %mul3A_32, 128 : i32
    %mul3A_33 = arith.constant 50 : i32
    %mul3A_34 = arith.muli %select_n3A, %mul3A_33 : i32
    %iota3A = tpu.iota {dimensions = array<i32: 0>} : vector<16xi32>
    "tpu.region"() ({
      %run_scoped3A = tpu.sem_alloc : memref<!tpu.dma_semaphore, #tpu.memory_space<semaphore_mem>>
      %dma_start3A_160 = arith.constant 0 : i32
      %dma_start3A_161 = tpu.memref_slice %arg3[%dma_start3A_160, %multiple_of3A] : memref<200x1024xi32, #tpu.memory_space<hbm>> -> memref<200x128xi32, #tpu.memory_space<hbm>>
      %dma_start3A_162 = arith.constant 0 : i32
      %dma_start3A_163 = tpu.memref_slice %arg3[%dma_start3A_162, %multiple_of3A] : memref<200x1024xi32, #tpu.memory_space<hbm>> -> memref<200x128xi32, #tpu.memory_space<hbm>>
      tpu.enqueue_dma source(%dma_start3A_163 : memref<200x128xi32, #tpu.memory_space<hbm>>) target(%arg6 : memref<200x128xi32, #tpu.memory_space<vmem>>) target_semaphore(%run_scoped3A : memref<!tpu.dma_semaphore, #tpu.memory_space<semaphore_mem>>)
      %dma_wait3A_164 = arith.constant 0 : i32
      %dma_wait3A_165 = tpu.memref_slice %arg3[%dma_wait3A_164, %multiple_of3A] : memref<200x1024xi32, #tpu.memory_space<hbm>> -> memref<200x128xi32, #tpu.memory_space<hbm>>
      %dma_wait3A_166 = arith.constant 0 : i32
      %dma_wait3A_167 = tpu.memref_slice %arg3[%dma_wait3A_166, %multiple_of3A] : memref<200x1024xi32, #tpu.memory_space<hbm>> -> memref<200x128xi32, #tpu.memory_space<hbm>>
      tpu.wait_dma2 semaphore(%run_scoped3A : memref<!tpu.dma_semaphore, #tpu.memory_space<semaphore_mem>>) src(%dma_wait3A_167 : memref<200x128xi32, #tpu.memory_space<hbm>>) dst(%arg6 : memref<200x128xi32, #tpu.memory_space<vmem>>)
      tpu.yield
    }) : () -> ()
    "tpu.region"() ({
      %run_scoped3A = tpu.sem_alloc : memref<!tpu.dma_semaphore, #tpu.memory_space<semaphore_mem>>
      tpu.enqueue_dma source(%arg4 : memref<200x128xf32, #tpu.memory_space<hbm>>) target(%arg7 : memref<200x128xf32, #tpu.memory_space<vmem>>) target_semaphore(%run_scoped3A : memref<!tpu.dma_semaphore, #tpu.memory_space<semaphore_mem>>)
      tpu.wait_dma2 semaphore(%run_scoped3A : memref<!tpu.dma_semaphore, #tpu.memory_space<semaphore_mem>>) src(%arg4 : memref<200x128xf32, #tpu.memory_space<hbm>>) dst(%arg7 : memref<200x128xf32, #tpu.memory_space<vmem>>)
      tpu.yield
    }) : () -> ()
    %add3A_35 = arith.constant 0 : i32
    %add3A_36 = arith.addi %mul3A_34, %add3A_35 : i32
    %get3A = arith.index_cast %add3A_36 : i32 to index
    %get3A_37 = arith.constant 0 : index
    %get3A_38 = tpu.vector_load %arg6[%get3A, %get3A_37] {strides = array<i32>} : memref<200x128xi32, #tpu.memory_space<vmem>>, vector<16xi32>,
    %shift_right_logical3A = arith.constant 1 : i32
    %shift_right_logical3A_39 = vector.broadcast %shift_right_logical3A : i32 to vector<16xi32>
    %shift_right_logical3A_40 = arith.shrui %get3A_38, %shift_right_logical3A_39 : vector<16xi32>
    %swap3A = arith.constant 0 : index
    %swap3A_41 = tpu.vector_load %arg8[%swap3A] {strides = array<i32>} : memref<128xi32, #tpu.memory_space<vmem>>, vector<16xi32>,
    tpu.vector_store %arg8[%swap3A], %shift_right_logical3A_40 {strides = array<i32>} : memref<128xi32, #tpu.memory_space<vmem>>, vector<16xi32>,
    %get3A_42 = arith.index_cast %add3A_36 : i32 to index
    %get3A_43 = arith.constant 16 : index
    %get3A_44 = tpu.vector_load %arg6[%get3A_42, %get3A_43] {strides = array<i32>} : memref<200x128xi32, #tpu.memory_space<vmem>>, vector<16xi32>,
    %shift_right_logical3A_45 = arith.constant 1 : i32
    %shift_right_logical3A_46 = vector.broadcast %shift_right_logical3A_45 : i32 to vector<16xi32>
    %shift_right_logical3A_47 = arith.shrui %get3A_44, %shift_right_logical3A_46 : vector<16xi32>
    %swap3A_48 = arith.constant 16 : index
    %swap3A_49 = tpu.vector_load %arg8[%swap3A_48] {strides = array<i32>} : memref<128xi32, #tpu.memory_space<vmem>>, vector<16xi32>,
    tpu.vector_store %arg8[%swap3A_48], %shift_right_logical3A_47 {strides = array<i32>} : memref<128xi32, #tpu.memory_space<vmem>>, vector<16xi32>,
    %get3A_50 = arith.index_cast %add3A_36 : i32 to index
    %get3A_51 = arith.constant 32 : index
    %get3A_52 = tpu.vector_load %arg6[%get3A_50, %get3A_51] {strides = array<i32>} : memref<200x128xi32, #tpu.memory_space<vmem>>, vector<16xi32>,
    %shift_right_logical3A_53 = arith.constant 1 : i32
    %shift_right_logical3A_54 = vector.broadcast %shift_right_logical3A_53 : i32 to vector<16xi32>
    %shift_right_logical3A_55 = arith.shrui %get3A_52, %shift_right_logical3A_54 : vector<16xi32>
    %swap3A_56 = arith.constant 32 : index
    %swap3A_57 = tpu.vector_load %arg8[%swap3A_56] {strides = array<i32>} : memref<128xi32, #tpu.memory_space<vmem>>, vector<16xi32>,
    tpu.vector_store %arg8[%swap3A_56], %shift_right_logical3A_55 {strides = array<i32>} : memref<128xi32, #tpu.memory_space<vmem>>, vector<16xi32>,
    %get3A_58 = arith.index_cast %add3A_36 : i32 to index
    %get3A_59 = arith.constant 48 : index
    %get3A_60 = tpu.vector_load %arg6[%get3A_58, %get3A_59] {strides = array<i32>} : memref<200x128xi32, #tpu.memory_space<vmem>>, vector<16xi32>,
    %shift_right_logical3A_61 = arith.constant 1 : i32
    %shift_right_logical3A_62 = vector.broadcast %shift_right_logical3A_61 : i32 to vector<16xi32>
    %shift_right_logical3A_63 = arith.shrui %get3A_60, %shift_right_logical3A_62 : vector<16xi32>
    %swap3A_64 = arith.constant 48 : index
    %swap3A_65 = tpu.vector_load %arg8[%swap3A_64] {strides = array<i32>} : memref<128xi32, #tpu.memory_space<vmem>>, vector<16xi32>,
    tpu.vector_store %arg8[%swap3A_64], %shift_right_logical3A_63 {strides = array<i32>} : memref<128xi32, #tpu.memory_space<vmem>>, vector<16xi32>,
    %get3A_66 = arith.index_cast %add3A_36 : i32 to index
    %get3A_67 = arith.constant 64 : index
    %get3A_68 = tpu.vector_load %arg6[%get3A_66, %get3A_67] {strides = array<i32>} : memref<200x128xi32, #tpu.memory_space<vmem>>, vector<16xi32>,
    %shift_right_logical3A_69 = arith.constant 1 : i32
    %shift_right_logical3A_70 = vector.broadcast %shift_right_logical3A_69 : i32 to vector<16xi32>
    %shift_right_logical3A_71 = arith.shrui %get3A_68, %shift_right_logical3A_70 : vector<16xi32>
    %swap3A_72 = arith.constant 64 : index
    %swap3A_73 = tpu.vector_load %arg8[%swap3A_72] {strides = array<i32>} : memref<128xi32, #tpu.memory_space<vmem>>, vector<16xi32>,
    tpu.vector_store %arg8[%swap3A_72], %shift_right_logical3A_71 {strides = array<i32>} : memref<128xi32, #tpu.memory_space<vmem>>, vector<16xi32>,
    %get3A_74 = arith.index_cast %add3A_36 : i32 to index
    %get3A_75 = arith.constant 80 : index
    %get3A_76 = tpu.vector_load %arg6[%get3A_74, %get3A_75] {strides = array<i32>} : memref<200x128xi32, #tpu.memory_space<vmem>>, vector<16xi32>,
    %shift_right_logical3A_77 = arith.constant 1 : i32
    %shift_right_logical3A_78 = vector.broadcast %shift_right_logical3A_77 : i32 to vector<16xi32>
    %shift_right_logical3A_79 = arith.shrui %get3A_76, %shift_right_logical3A_78 : vector<16xi32>
    %swap3A_80 = arith.constant 80 : index
    %swap3A_81 = tpu.vector_load %arg8[%swap3A_80] {strides = array<i32>} : memref<128xi32, #tpu.memory_space<vmem>>, vector<16xi32>,
    tpu.vector_store %arg8[%swap3A_80], %shift_right_logical3A_79 {strides = array<i32>} : memref<128xi32, #tpu.memory_space<vmem>>, vector<16xi32>,
    %get3A_82 = arith.index_cast %add3A_36 : i32 to index
    %get3A_83 = arith.constant 96 : index
    %get3A_84 = tpu.vector_load %arg6[%get3A_82, %get3A_83] {strides = array<i32>} : memref<200x128xi32, #tpu.memory_space<vmem>>, vector<16xi32>,
    %shift_right_logical3A_85 = arith.constant 1 : i32
    %shift_right_logical3A_86 = vector.broadcast %shift_right_logical3A_85 : i32 to vector<16xi32>
    %shift_right_logical3A_87 = arith.shrui %get3A_84, %shift_right_logical3A_86 : vector<16xi32>
    %swap3A_88 = arith.constant 96 : index
    %swap3A_89 = tpu.vector_load %arg8[%swap3A_88] {strides = array<i32>} : memref<128xi32, #tpu.memory_space<vmem>>, vector<16xi32>,
    tpu.vector_store %arg8[%swap3A_88], %shift_right_logical3A_87 {strides = array<i32>} : memref<128xi32, #tpu.memory_space<vmem>>, vector<16xi32>,
    %get3A_90 = arith.index_cast %add3A_36 : i32 to index
    %get3A_91 = arith.constant 112 : index
    %get3A_92 = tpu.vector_load %arg6[%get3A_90, %get3A_91] {strides = array<i32>} : memref<200x128xi32, #tpu.memory_space<vmem>>, vector<16xi32>,
    %shift_right_logical3A_93 = arith.constant 1 : i32
    %shift_right_logical3A_94 = vector.broadcast %shift_right_logical3A_93 : i32 to vector<16xi32>
    %shift_right_logical3A_95 = arith.shrui %get3A_92, %shift_right_logical3A_94 : vector<16xi32>
    %swap3A_96 = arith.constant 112 : index
    %swap3A_97 = tpu.vector_load %arg8[%swap3A_96] {strides = array<i32>} : memref<128xi32, #tpu.memory_space<vmem>>, vector<16xi32>,
    tpu.vector_store %arg8[%swap3A_96], %shift_right_logical3A_95 {strides = array<i32>} : memref<128xi32, #tpu.memory_space<vmem>>, vector<16xi32>,
    %dma_start3A = arith.constant 0 : i32
    %dma_start3A_98 = arith.constant 0 : i32
    %dma_start3A_99 = arith.constant 0 : i32
    %dma_start3A_100 = arith.constant 0 : i32
    %dma_start3A_101 = tpu.memref_slice %arg11[%dma_start3A, %dma_start3A_99, %dma_start3A_100] : memref<2x128x128xf32, #tpu.memory_space<vmem>> -> memref<1x128x128xf32, #tpu.memory_space<vmem>>
    %dma_start3A_102 = tpu.memref_squeeze %dma_start3A_101 : memref<1x128x128xf32, #tpu.memory_space<vmem>> -> memref<128x128xf32, #tpu.memory_space<vmem>>
    %dma_start3A_103 = arith.constant 0 : i32
    %dma_start3A_104 = arith.constant 0 : i32
    %dma_start3A_105 = tpu.memref_slice %arg2[%dma_start3A_103, %dma_start3A_104] : memref<500000x128xf32, #tpu.memory_space<hbm>> -> memref<500000x128xf32, #tpu.memory_space<hbm>>
    %dma_start3A_106 = tpu.memref_slice %arg13[%dma_start3A_98] : memref<2x!tpu.dma_semaphore, #tpu.memory_space<semaphore_mem>> -> memref<1x!tpu.dma_semaphore, #tpu.memory_space<semaphore_mem>>
    %dma_start3A_107 = tpu.memref_squeeze %dma_start3A_106 : memref<1x!tpu.dma_semaphore, #tpu.memory_space<semaphore_mem>> -> memref<!tpu.dma_semaphore, #tpu.memory_space<semaphore_mem>>
    tpu.enqueue_indirect_dma source(%dma_start3A_105 : memref<500000x128xf32, #tpu.memory_space<hbm>>) target(%dma_start3A_102 : memref<128x128xf32, #tpu.memory_space<vmem>>) offsets(%arg8 : memref<128xi32, #tpu.memory_space<vmem>>) semaphore(%dma_start3A_107 : memref<!tpu.dma_semaphore, #tpu.memory_space<semaphore_mem>>)
    %scan3A = arith.constant 0 : i32
    %scan3A_108 = arith.constant 0 : i32
    %scan3A_109 = arith.constant 50 : i32
    %scan3A_110 = arith.addi %scan3A_108, %scan3A_109 : i32
    %scan3A_111 = arith.constant 1 : i32
    scf.for %scan3A_160 = %scan3A_108 to %scan3A_110 step %scan3A_111  : i32 {
      %rem3A_161 = arith.constant 2 : i32
      %rem3A_162 = arith.remsi %scan3A_160, %rem3A_161 : i32
      %add3A_163 = arith.addi %mul3A_34, %scan3A_160 : i32
      %dma_wait3A_164 = arith.constant 0 : i32
      %dma_wait3A_165 = arith.constant 0 : i32
      %dma_wait3A_166 = tpu.memref_slice %arg11[%rem3A_162, %dma_wait3A_164, %dma_wait3A_165] : memref<2x128x128xf32, #tpu.memory_space<vmem>> -> memref<1x128x128xf32, #tpu.memory_space<vmem>>
      %dma_wait3A_167 = tpu.memref_squeeze %dma_wait3A_166 : memref<1x128x128xf32, #tpu.memory_space<vmem>> -> memref<128x128xf32, #tpu.memory_space<vmem>>
      %dma_wait3A_168 = arith.constant 0 : i32
      %dma_wait3A_169 = arith.constant 0 : i32
      %dma_wait3A_170 = tpu.memref_slice %arg2[%dma_wait3A_168, %dma_wait3A_169] : memref<500000x128xf32, #tpu.memory_space<hbm>> -> memref<500000x128xf32, #tpu.memory_space<hbm>>
      %dma_wait3A_171 = tpu.memref_slice %arg13[%rem3A_162] : memref<2x!tpu.dma_semaphore, #tpu.memory_space<semaphore_mem>> -> memref<1x!tpu.dma_semaphore, #tpu.memory_space<semaphore_mem>>
      %dma_wait3A_172 = tpu.memref_squeeze %dma_wait3A_171 : memref<1x!tpu.dma_semaphore, #tpu.memory_space<semaphore_mem>> -> memref<!tpu.dma_semaphore, #tpu.memory_space<semaphore_mem>>
      tpu.wait_indirect_dma semaphore(%dma_wait3A_172 : memref<!tpu.dma_semaphore, #tpu.memory_space<semaphore_mem>>) src(%dma_wait3A_170 : memref<500000x128xf32, #tpu.memory_space<hbm>>) dst(%dma_wait3A_167 : memref<128x128xf32, #tpu.memory_space<vmem>>)
      %get3A_173 = arith.index_cast %add3A_163 : i32 to index
      %get3A_174 = arith.constant 0 : index
      %get3A_175 = tpu.vector_load %arg6[%get3A_173, %get3A_174] {strides = array<i32>} : memref<200x128xi32, #tpu.memory_space<vmem>>, vector<16xi32>,
      %and3A_176 = arith.constant 1 : i32
      %and3A_177 = vector.broadcast %and3A_176 : i32 to vector<16xi32>
      %and3A_178 = arith.andi %get3A_175, %and3A_177 : vector<16xi32>
      %mul3A_179 = arith.constant 64 : i32
      %mul3A_180 = vector.broadcast %mul3A_179 : i32 to vector<16xi32>
      %mul3A_181 = arith.muli %and3A_178, %mul3A_180 : vector<16xi32>
      %get3A_182 = arith.index_cast %add3A_163 : i32 to index
      %get3A_183 = arith.constant 16 : index
      %get3A_184 = tpu.vector_load %arg6[%get3A_182, %get3A_183] {strides = array<i32>} : memref<200x128xi32, #tpu.memory_space<vmem>>, vector<16xi32>,
      %and3A_185 = arith.constant 1 : i32
      %and3A_186 = vector.broadcast %and3A_185 : i32 to vector<16xi32>
      %and3A_187 = arith.andi %get3A_184, %and3A_186 : vector<16xi32>
      %mul3A_188 = arith.constant 64 : i32
      %mul3A_189 = vector.broadcast %mul3A_188 : i32 to vector<16xi32>
      %mul3A_190 = arith.muli %and3A_187, %mul3A_189 : vector<16xi32>
      %get3A_191 = arith.index_cast %add3A_163 : i32 to index
      %get3A_192 = arith.constant 32 : index
      %get3A_193 = tpu.vector_load %arg6[%get3A_191, %get3A_192] {strides = array<i32>} : memref<200x128xi32, #tpu.memory_space<vmem>>, vector<16xi32>,
      %and3A_194 = arith.constant 1 : i32
      %and3A_195 = vector.broadcast %and3A_194 : i32 to vector<16xi32>
      %and3A_196 = arith.andi %get3A_193, %and3A_195 : vector<16xi32>
      %mul3A_197 = arith.constant 64 : i32
      %mul3A_198 = vector.broadcast %mul3A_197 : i32 to vector<16xi32>
      %mul3A_199 = arith.muli %and3A_196, %mul3A_198 : vector<16xi32>
      %get3A_200 = arith.index_cast %add3A_163 : i32 to index
      %get3A_201 = arith.constant 48 : index
      %get3A_202 = tpu.vector_load %arg6[%get3A_200, %get3A_201] {strides = array<i32>} : memref<200x128xi32, #tpu.memory_space<vmem>>, vector<16xi32>,
      %and3A_203 = arith.constant 1 : i32
      %and3A_204 = vector.broadcast %and3A_203 : i32 to vector<16xi32>
      %and3A_205 = arith.andi %get3A_202, %and3A_204 : vector<16xi32>
      %mul3A_206 = arith.constant 64 : i32
      %mul3A_207 = vector.broadcast %mul3A_206 : i32 to vector<16xi32>
      %mul3A_208 = arith.muli %and3A_205, %mul3A_207 : vector<16xi32>
      %get3A_209 = arith.index_cast %add3A_163 : i32 to index
      %get3A_210 = arith.constant 64 : index
      %get3A_211 = tpu.vector_load %arg6[%get3A_209, %get3A_210] {strides = array<i32>} : memref<200x128xi32, #tpu.memory_space<vmem>>, vector<16xi32>,
      %and3A_212 = arith.constant 1 : i32
      %and3A_213 = vector.broadcast %and3A_212 : i32 to vector<16xi32>
      %and3A_214 = arith.andi %get3A_211, %and3A_213 : vector<16xi32>
      %mul3A_215 = arith.constant 64 : i32
      %mul3A_216 = vector.broadcast %mul3A_215 : i32 to vector<16xi32>
      %mul3A_217 = arith.muli %and3A_214, %mul3A_216 : vector<16xi32>
      %get3A_218 = arith.index_cast %add3A_163 : i32 to index
      %get3A_219 = arith.constant 80 : index
      %get3A_220 = tpu.vector_load %arg6[%get3A_218, %get3A_219] {strides = array<i32>} : memref<200x128xi32, #tpu.memory_space<vmem>>, vector<16xi32>,
      %and3A_221 = arith.constant 1 : i32
      %and3A_222 = vector.broadcast %and3A_221 : i32 to vector<16xi32>
      %and3A_223 = arith.andi %get3A_220, %and3A_222 : vector<16xi32>
      %mul3A_224 = arith.constant 64 : i32
      %mul3A_225 = vector.broadcast %mul3A_224 : i32 to vector<16xi32>
      %mul3A_226 = arith.muli %and3A_223, %mul3A_225 : vector<16xi32>
      %get3A_227 = arith.index_cast %add3A_163 : i32 to index
      %get3A_228 = arith.constant 96 : index
      %get3A_229 = tpu.vector_load %arg6[%get3A_227, %get3A_228] {strides = array<i32>} : memref<200x128xi32, #tpu.memory_space<vmem>>, vector<16xi32>,
      %and3A_230 = arith.constant 1 : i32
      %and3A_231 = vector.broadcast %and3A_230 : i32 to vector<16xi32>
      %and3A_232 = arith.andi %get3A_229, %and3A_231 : vector<16xi32>
      %mul3A_233 = arith.constant 64 : i32
      %mul3A_234 = vector.broadcast %mul3A_233 : i32 to vector<16xi32>
      %mul3A_235 = arith.muli %and3A_232, %mul3A_234 : vector<16xi32>
      %get3A_236 = arith.index_cast %add3A_163 : i32 to index
      %get3A_237 = arith.constant 112 : index
      %get3A_238 = tpu.vector_load %arg6[%get3A_236, %get3A_237] {strides = array<i32>} : memref<200x128xi32, #tpu.memory_space<vmem>>, vector<16xi32>,
      %and3A_239 = arith.constant 1 : i32
      %and3A_240 = vector.broadcast %and3A_239 : i32 to vector<16xi32>
      %and3A_241 = arith.andi %get3A_238, %and3A_240 : vector<16xi32>
      %mul3A_242 = arith.constant 64 : i32
      %mul3A_243 = vector.broadcast %mul3A_242 : i32 to vector<16xi32>
      %mul3A_244 = arith.muli %and3A_241, %mul3A_243 : vector<16xi32>
      %get3A_245 = arith.index_cast %add3A_163 : i32 to index
      %get3A_246 = arith.constant 0 : index
      %get3A_247 = tpu.vector_load %arg7[%get3A_245, %get3A_246] {strides = array<i32>} : memref<200x128xf32, #tpu.memory_space<vmem>>, vector<16xf32>,
      %broadcast_in_dim3A = arith.constant 0 : i32
      %broadcast_in_dim3A_248 = vector.broadcast %broadcast_in_dim3A : i32 to vector<16xi32>
      %lt3A_249 = arith.constant 0 : i32
      %lt3A_250 = vector.broadcast %lt3A_249 : i32 to vector<16xi32>
      %lt3A_251 = arith.cmpi slt, %broadcast_in_dim3A_248, %lt3A_250 : vector<16xi32>
      %add3A_252 = arith.constant 16 : i32
      %add3A_253 = vector.broadcast %add3A_252 : i32 to vector<16xi32>
      %add3A_254 = arith.addi %broadcast_in_dim3A_248, %add3A_253 : vector<16xi32>
      %select_n3A_255 = arith.select %lt3A_251, %add3A_254, %broadcast_in_dim3A_248 : vector<16xi1>, vector<16xi32>
      %broadcast_in_dim3A_256 = vector.shape_cast %select_n3A_255 : vector<16xi32> to vector<16x1xi32>
      %gather3A = vector.shape_cast %broadcast_in_dim3A_256 : vector<16x1xi32> to vector<16xi32>
      %gather3A_257 = tpu.dynamic_gather %get3A_247[%gather3A] in [0] : vector<16xf32>, vector<16xi32> -> vector<16xf32>
      %swap3A_258 = arith.constant 0 : i32
      %swap3A_259 = arith.index_cast %swap3A_258 : i32 to index
      %swap3A_260 = arith.constant 0 : index
      %swap3A_261 = tpu.vector_load %arg10[%swap3A_259, %swap3A_260] {strides = array<i32>} : memref<64x128xf32, #tpu.memory_space<vmem>>, vector<16xf32>,
      tpu.vector_store %arg10[%swap3A_259, %swap3A_260], %gather3A_257 {strides = array<i32>} : memref<64x128xf32, #tpu.memory_space<vmem>>, vector<16xf32>,
      %broadcast_in_dim3A_262 = arith.constant 1 : i32
      %broadcast_in_dim3A_263 = vector.broadcast %broadcast_in_dim3A_262 : i32 to vector<16xi32>
      %lt3A_264 = arith.constant 0 : i32
      %lt3A_265 = vector.broadcast %lt3A_264 : i32 to vector<16xi32>
      %lt3A_266 = arith.cmpi slt, %broadcast_in_dim3A_263, %lt3A_265 : vector<16xi32>
      %add3A_267 = arith.constant 16 : i32
      %add3A_268 = vector.broadcast %add3A_267 : i32 to vector<16xi32>
      %add3A_269 = arith.addi %broadcast_in_dim3A_263, %add3A_268 : vector<16xi32>
      %select_n3A_270 = arith.select %lt3A_266, %add3A_269, %broadcast_in_dim3A_263 : vector<16xi1>, vector<16xi32>
      %broadcast_in_dim3A_271 = vector.shape_cast %select_n3A_270 : vector<16xi32> to vector<16x1xi32>
      %gather3A_272 = vector.shape_cast %broadcast_in_dim3A_271 : vector<16x1xi32> to vector<16xi32>
      %gather3A_273 = tpu.dynamic_gather %get3A_247[%gather3A_272] in [0] : vector<16xf32>, vector<16xi32> -> vector<16xf32>
      %swap3A_274 = arith.constant 1 : i32
      %swap3A_275 = arith.index_cast %swap3A_274 : i32 to index
      %swap3A_276 = arith.constant 0 : index
      %swap3A_277 = tpu.vector_load %arg10[%swap3A_275, %swap3A_276] {strides = array<i32>} : memref<64x128xf32, #tpu.memory_space<vmem>>, vector<16xf32>,
      tpu.vector_store %arg10[%swap3A_275, %swap3A_276], %gather3A_273 {strides = array<i32>} : memref<64x128xf32, #tpu.memory_space<vmem>>, vector<16xf32>,
      %broadcast_in_dim3A_278 = arith.constant 2 : i32
      %broadcast_in_dim3A_279 = vector.broadcast %broadcast_in_dim3A_278 : i32 to vector<16xi32>
      %lt3A_280 = arith.constant 0 : i32
      %lt3A_281 = vector.broadcast %lt3A_280 : i32 to vector<16xi32>
      %lt3A_282 = arith.cmpi slt, %broadcast_in_dim3A_279, %lt3A_281 : vector<16xi32>
      %add3A_283 = arith.constant 16 : i32
      %add3A_284 = vector.broadcast %add3A_283 : i32 to vector<16xi32>
      %add3A_285 = arith.addi %broadcast_in_dim3A_279, %add3A_284 : vector<16xi32>
      %select_n3A_286 = arith.select %lt3A_282, %add3A_285, %broadcast_in_dim3A_279 : vector<16xi1>, vector<16xi32>
      %broadcast_in_dim3A_287 = vector.shape_cast %select_n3A_286 : vector<16xi32> to vector<16x1xi32>
      %gather3A_288 = vector.shape_cast %broadcast_in_dim3A_287 : vector<16x1xi32> to vector<16xi32>
      %gather3A_289 = tpu.dynamic_gather %get3A_247[%gather3A_288] in [0] : vector<16xf32>, vector<16xi32> -> vector<16xf32>
      %swap3A_290 = arith.constant 2 : i32
      %swap3A_291 = arith.index_cast %swap3A_290 : i32 to index
      %swap3A_292 = arith.constant 0 : index
      %swap3A_293 = tpu.vector_load %arg10[%swap3A_291, %swap3A_292] {strides = array<i32>} : memref<64x128xf32, #tpu.memory_space<vmem>>, vector<16xf32>,
      tpu.vector_store %arg10[%swap3A_291, %swap3A_292], %gather3A_289 {strides = array<i32>} : memref<64x128xf32, #tpu.memory_space<vmem>>, vector<16xf32>,
      %broadcast_in_dim3A_294 = arith.constant 3 : i32
      %broadcast_in_dim3A_295 = vector.broadcast %broadcast_in_dim3A_294 : i32 to vector<16xi32>
      %lt3A_296 = arith.constant 0 : i32
      %lt3A_297 = vector.broadcast %lt3A_296 : i32 to vector<16xi32>
      %lt3A_298 = arith.cmpi slt, %broadcast_in_dim3A_295, %lt3A_297 : vector<16xi32>
      %add3A_299 = arith.constant 16 : i32
      %add3A_300 = vector.broadcast %add3A_299 : i32 to vector<16xi32>
      %add3A_301 = arith.addi %broadcast_in_dim3A_295, %add3A_300 : vector<16xi32>
      %select_n3A_302 = arith.select %lt3A_298, %add3A_301, %broadcast_in_dim3A_295 : vector<16xi1>, vector<16xi32>
      %broadcast_in_dim3A_303 = vector.shape_cast %select_n3A_302 : vector<16xi32> to vector<16x1xi32>
      %gather3A_304 = vector.shape_cast %broadcast_in_dim3A_303 : vector<16x1xi32> to vector<16xi32>
      %gather3A_305 = tpu.dynamic_gather %get3A_247[%gather3A_304] in [0] : vector<16xf32>, vector<16xi32> -> vector<16xf32>
      %swap3A_306 = arith.constant 3 : i32
      %swap3A_307 = arith.index_cast %swap3A_306 : i32 to index
      %swap3A_308 = arith.constant 0 : index
      %swap3A_309 = tpu.vector_load %arg10[%swap3A_307, %swap3A_308] {strides = array<i32>} : memref<64x128xf32, #tpu.memory_space<vmem>>, vector<16xf32>,
      tpu.vector_store %arg10[%swap3A_307, %swap3A_308], %gather3A_305 {strides = array<i32>} : memref<64x128xf32, #tpu.memory_space<vmem>>, vector<16xf32>,
      %broadcast_in_dim3A_310 = arith.constant 4 : i32
      %broadcast_in_dim3A_311 = vector.broadcast %broadcast_in_dim3A_310 : i32 to vector<16xi32>
      %lt3A_312 = arith.constant 0 : i32
      %lt3A_313 = vector.broadcast %lt3A_312 : i32 to vector<16xi32>
      %lt3A_314 = arith.cmpi slt, %broadcast_in_dim3A_311, %lt3A_313 : vector<16xi32>
      %add3A_315 = arith.constant 16 : i32
      %add3A_316 = vector.broadcast %add3A_315 : i32 to vector<16xi32>
      %add3A_317 = arith.addi %broadcast_in_dim3A_311, %add3A_316 : vector<16xi32>
      %select_n3A_318 = arith.select %lt3A_314, %add3A_317, %broadcast_in_dim3A_311 : vector<16xi1>, vector<16xi32>
      %broadcast_in_dim3A_319 = vector.shape_cast %select_n3A_318 : vector<16xi32> to vector<16x1xi32>
      %gather3A_320 = vector.shape_cast %broadcast_in_dim3A_319 : vector<16x1xi32> to vector<16xi32>
      %gather3A_321 = tpu.dynamic_gather %get3A_247[%gather3A_320] in [0] : vector<16xf32>, vector<16xi32> -> vector<16xf32>
      %swap3A_322 = arith.constant 4 : i32
      %swap3A_323 = arith.index_cast %swap3A_322 : i32 to index
      %swap3A_324 = arith.constant 0 : index
      %swap3A_325 = tpu.vector_load %arg10[%swap3A_323, %swap3A_324] {strides = array<i32>} : memref<64x128xf32, #tpu.memory_space<vmem>>, vector<16xf32>,
      tpu.vector_store %arg10[%swap3A_323, %swap3A_324], %gather3A_321 {strides = array<i32>} : memref<64x128xf32, #tpu.memory_space<vmem>>, vector<16xf32>,
      %broadcast_in_dim3A_326 = arith.constant 5 : i32
      %broadcast_in_dim3A_327 = vector.broadcast %broadcast_in_dim3A_326 : i32 to vector<16xi32>
      %lt3A_328 = arith.constant 0 : i32
      %lt3A_329 = vector.broadcast %lt3A_328 : i32 to vector<16xi32>
      %lt3A_330 = arith.cmpi slt, %broadcast_in_dim3A_327, %lt3A_329 : vector<16xi32>
      %add3A_331 = arith.constant 16 : i32
      %add3A_332 = vector.broadcast %add3A_331 : i32 to vector<16xi32>
      %add3A_333 = arith.addi %broadcast_in_dim3A_327, %add3A_332 : vector<16xi32>
      %select_n3A_334 = arith.select %lt3A_330, %add3A_333, %broadcast_in_dim3A_327 : vector<16xi1>, vector<16xi32>
      %broadcast_in_dim3A_335 = vector.shape_cast %select_n3A_334 : vector<16xi32> to vector<16x1xi32>
      %gather3A_336 = vector.shape_cast %broadcast_in_dim3A_335 : vector<16x1xi32> to vector<16xi32>
      %gather3A_337 = tpu.dynamic_gather %get3A_247[%gather3A_336] in [0] : vector<16xf32>, vector<16xi32> -> vector<16xf32>
      %swap3A_338 = arith.constant 5 : i32
      %swap3A_339 = arith.index_cast %swap3A_338 : i32 to index
      %swap3A_340 = arith.constant 0 : index
      %swap3A_341 = tpu.vector_load %arg10[%swap3A_339, %swap3A_340] {strides = array<i32>} : memref<64x128xf32, #tpu.memory_space<vmem>>, vector<16xf32>,
      tpu.vector_store %arg10[%swap3A_339, %swap3A_340], %gather3A_337 {strides = array<i32>} : memref<64x128xf32, #tpu.memory_space<vmem>>, vector<16xf32>,
      %broadcast_in_dim3A_342 = arith.constant 6 : i32
      %broadcast_in_dim3A_343 = vector.broadcast %broadcast_in_dim3A_342 : i32 to vector<16xi32>
      %lt3A_344 = arith.constant 0 : i32
      %lt3A_345 = vector.broadcast %lt3A_344 : i32 to vector<16xi32>
      %lt3A_346 = arith.cmpi slt, %broadcast_in_dim3A_343, %lt3A_345 : vector<16xi32>
      %add3A_347 = arith.constant 16 : i32
      %add3A_348 = vector.broadcast %add3A_347 : i32 to vector<16xi32>
      %add3A_349 = arith.addi %broadcast_in_dim3A_343, %add3A_348 : vector<16xi32>
      %select_n3A_350 = arith.select %lt3A_346, %add3A_349, %broadcast_in_dim3A_343 : vector<16xi1>, vector<16xi32>
      %broadcast_in_dim3A_351 = vector.shape_cast %select_n3A_350 : vector<16xi32> to vector<16x1xi32>
      %gather3A_352 = vector.shape_cast %broadcast_in_dim3A_351 : vector<16x1xi32> to vector<16xi32>
      %gather3A_353 = tpu.dynamic_gather %get3A_247[%gather3A_352] in [0] : vector<16xf32>, vector<16xi32> -> vector<16xf32>
      %swap3A_354 = arith.constant 6 : i32
      %swap3A_355 = arith.index_cast %swap3A_354 : i32 to index
      %swap3A_356 = arith.constant 0 : index
      %swap3A_357 = tpu.vector_load %arg10[%swap3A_355, %swap3A_356] {strides = array<i32>} : memref<64x128xf32, #tpu.memory_space<vmem>>, vector<16xf32>,
      tpu.vector_store %arg10[%swap3A_355, %swap3A_356], %gather3A_353 {strides = array<i32>} : memref<64x128xf32, #tpu.memory_space<vmem>>, vector<16xf32>,
      %broadcast_in_dim3A_358 = arith.constant 7 : i32
      %broadcast_in_dim3A_359 = vector.broadcast %broadcast_in_dim3A_358 : i32 to vector<16xi32>
      %lt3A_360 = arith.constant 0 : i32
      %lt3A_361 = vector.broadcast %lt3A_360 : i32 to vector<16xi32>
      %lt3A_362 = arith.cmpi slt, %broadcast_in_dim3A_359, %lt3A_361 : vector<16xi32>
      %add3A_363 = arith.constant 16 : i32
      %add3A_364 = vector.broadcast %add3A_363 : i32 to vector<16xi32>
      %add3A_365 = arith.addi %broadcast_in_dim3A_359, %add3A_364 : vector<16xi32>
      %select_n3A_366 = arith.select %lt3A_362, %add3A_365, %broadcast_in_dim3A_359 : vector<16xi1>, vector<16xi32>
      %broadcast_in_dim3A_367 = vector.shape_cast %select_n3A_366 : vector<16xi32> to vector<16x1xi32>
      %gather3A_368 = vector.shape_cast %broadcast_in_dim3A_367 : vector<16x1xi32> to vector<16xi32>
      %gather3A_369 = tpu.dynamic_gather %get3A_247[%gather3A_368] in [0] : vector<16xf32>, vector<16xi32> -> vector<16xf32>
      %swap3A_370 = arith.constant 7 : i32
      %swap3A_371 = arith.index_cast %swap3A_370 : i32 to index
      %swap3A_372 = arith.constant 0 : index
      %swap3A_373 = tpu.vector_load %arg10[%swap3A_371, %swap3A_372] {strides = array<i32>} : memref<64x128xf32, #tpu.memory_space<vmem>>, vector<16xf32>,
      tpu.vector_store %arg10[%swap3A_371, %swap3A_372], %gather3A_369 {strides = array<i32>} : memref<64x128xf32, #tpu.memory_space<vmem>>, vector<16xf32>,
      %broadcast_in_dim3A_374 = arith.constant 8 : i32
      %broadcast_in_dim3A_375 = vector.broadcast %broadcast_in_dim3A_374 : i32 to vector<16xi32>
      %lt3A_376 = arith.constant 0 : i32
      %lt3A_377 = vector.broadcast %lt3A_376 : i32 to vector<16xi32>
      %lt3A_378 = arith.cmpi slt, %broadcast_in_dim3A_375, %lt3A_377 : vector<16xi32>
      %add3A_379 = arith.constant 16 : i32
      %add3A_380 = vector.broadcast %add3A_379 : i32 to vector<16xi32>
      %add3A_381 = arith.addi %broadcast_in_dim3A_375, %add3A_380 : vector<16xi32>
      %select_n3A_382 = arith.select %lt3A_378, %add3A_381, %broadcast_in_dim3A_375 : vector<16xi1>, vector<16xi32>
      %broadcast_in_dim3A_383 = vector.shape_cast %select_n3A_382 : vector<16xi32> to vector<16x1xi32>
      %gather3A_384 = vector.shape_cast %broadcast_in_dim3A_383 : vector<16x1xi32> to vector<16xi32>
      %gather3A_385 = tpu.dynamic_gather %get3A_247[%gather3A_384] in [0] : vector<16xf32>, vector<16xi32> -> vector<16xf32>
      %swap3A_386 = arith.constant 8 : i32
      %swap3A_387 = arith.index_cast %swap3A_386 : i32 to index
      %swap3A_388 = arith.constant 0 : index
      %swap3A_389 = tpu.vector_load %arg10[%swap3A_387, %swap3A_388] {strides = array<i32>} : memref<64x128xf32, #tpu.memory_space<vmem>>, vector<16xf32>,
      tpu.vector_store %arg10[%swap3A_387, %swap3A_388], %gather3A_385 {strides = array<i32>} : memref<64x128xf32, #tpu.memory_space<vmem>>, vector<16xf32>,
      %broadcast_in_dim3A_390 = arith.constant 9 : i32
      %broadcast_in_dim3A_391 = vector.broadcast %broadcast_in_dim3A_390 : i32 to vector<16xi32>
      %lt3A_392 = arith.constant 0 : i32
      %lt3A_393 = vector.broadcast %lt3A_392 : i32 to vector<16xi32>
      %lt3A_394 = arith.cmpi slt, %broadcast_in_dim3A_391, %lt3A_393 : vector<16xi32>
      %add3A_395 = arith.constant 16 : i32
      %add3A_396 = vector.broadcast %add3A_395 : i32 to vector<16xi32>
      %add3A_397 = arith.addi %broadcast_in_dim3A_391, %add3A_396 : vector<16xi32>
      %select_n3A_398 = arith.select %lt3A_394, %add3A_397, %broadcast_in_dim3A_391 : vector<16xi1>, vector<16xi32>
      %broadcast_in_dim3A_399 = vector.shape_cast %select_n3A_398 : vector<16xi32> to vector<16x1xi32>
      %gather3A_400 = vector.shape_cast %broadcast_in_dim3A_399 : vector<16x1xi32> to vector<16xi32>
      %gather3A_401 = tpu.dynamic_gather %get3A_247[%gather3A_400] in [0] : vector<16xf32>, vector<16xi32> -> vector<16xf32>
      %swap3A_402 = arith.constant 9 : i32
      %swap3A_403 = arith.index_cast %swap3A_402 : i32 to index
      %swap3A_404 = arith.constant 0 : index
      %swap3A_405 = tpu.vector_load %arg10[%swap3A_403, %swap3A_404] {strides = array<i32>} : memref<64x128xf32, #tpu.memory_space<vmem>>, vector<16xf32>,
      tpu.vector_store %arg10[%swap3A_403, %swap3A_404], %gather3A_401 {strides = array<i32>} : memref<64x128xf32, #tpu.memory_space<vmem>>, vector<16xf32>,
      %broadcast_in_dim3A_406 = arith.constant 10 : i32
      %broadcast_in_dim3A_407 = vector.broadcast %broadcast_in_dim3A_406 : i32 to vector<16xi32>
      %lt3A_408 = arith.constant 0 : i32
      %lt3A_409 = vector.broadcast %lt3A_408 : i32 to vector<16xi32>
      %lt3A_410 = arith.cmpi slt, %broadcast_in_dim3A_407, %lt3A_409 : vector<16xi32>
      %add3A_411 = arith.constant 16 : i32
      %add3A_412 = vector.broadcast %add3A_411 : i32 to vector<16xi32>
      %add3A_413 = arith.addi %broadcast_in_dim3A_407, %add3A_412 : vector<16xi32>
      %select_n3A_414 = arith.select %lt3A_410, %add3A_413, %broadcast_in_dim3A_407 : vector<16xi1>, vector<16xi32>
      %broadcast_in_dim3A_415 = vector.shape_cast %select_n3A_414 : vector<16xi32> to vector<16x1xi32>
      %gather3A_416 = vector.shape_cast %broadcast_in_dim3A_415 : vector<16x1xi32> to vector<16xi32>
      %gather3A_417 = tpu.dynamic_gather %get3A_247[%gather3A_416] in [0] : vector<16xf32>, vector<16xi32> -> vector<16xf32>
      %swap3A_418 = arith.constant 10 : i32
      %swap3A_419 = arith.index_cast %swap3A_418 : i32 to index
      %swap3A_420 = arith.constant 0 : index
      %swap3A_421 = tpu.vector_load %arg10[%swap3A_419, %swap3A_420] {strides = array<i32>} : memref<64x128xf32, #tpu.memory_space<vmem>>, vector<16xf32>,
      tpu.vector_store %arg10[%swap3A_419, %swap3A_420], %gather3A_417 {strides = array<i32>} : memref<64x128xf32, #tpu.memory_space<vmem>>, vector<16xf32>,
      %broadcast_in_dim3A_422 = arith.constant 11 : i32
      %broadcast_in_dim3A_423 = vector.broadcast %broadcast_in_dim3A_422 : i32 to vector<16xi32>
      %lt3A_424 = arith.constant 0 : i32
      %lt3A_425 = vector.broadcast %lt3A_424 : i32 to vector<16xi32>
      %lt3A_426 = arith.cmpi slt, %broadcast_in_dim3A_423, %lt3A_425 : vector<16xi32>
      %add3A_427 = arith.constant 16 : i32
      %add3A_428 = vector.broadcast %add3A_427 : i32 to vector<16xi32>
      %add3A_429 = arith.addi %broadcast_in_dim3A_423, %add3A_428 : vector<16xi32>
      %select_n3A_430 = arith.select %lt3A_426, %add3A_429, %broadcast_in_dim3A_423 : vector<16xi1>, vector<16xi32>
      %broadcast_in_dim3A_431 = vector.shape_cast %select_n3A_430 : vector<16xi32> to vector<16x1xi32>
      %gather3A_432 = vector.shape_cast %broadcast_in_dim3A_431 : vector<16x1xi32> to vector<16xi32>
      %gather3A_433 = tpu.dynamic_gather %get3A_247[%gather3A_432] in [0] : vector<16xf32>, vector<16xi32> -> vector<16xf32>
      %swap3A_434 = arith.constant 11 : i32
      %swap3A_435 = arith.index_cast %swap3A_434 : i32 to index
      %swap3A_436 = arith.constant 0 : index
      %swap3A_437 = tpu.vector_load %arg10[%swap3A_435, %swap3A_436] {strides = array<i32>} : memref<64x128xf32, #tpu.memory_space<vmem>>, vector<16xf32>,
      tpu.vector_store %arg10[%swap3A_435, %swap3A_436], %gather3A_433 {strides = array<i32>} : memref<64x128xf32, #tpu.memory_space<vmem>>, vector<16xf32>,
      %broadcast_in_dim3A_438 = arith.constant 12 : i32
      %broadcast_in_dim3A_439 = vector.broadcast %broadcast_in_dim3A_438 : i32 to vector<16xi32>
      %lt3A_440 = arith.constant 0 : i32
      %lt3A_441 = vector.broadcast %lt3A_440 : i32 to vector<16xi32>
      %lt3A_442 = arith.cmpi slt, %broadcast_in_dim3A_439, %lt3A_441 : vector<16xi32>
      %add3A_443 = arith.constant 16 : i32
      %add3A_444 = vector.broadcast %add3A_443 : i32 to vector<16xi32>
      %add3A_445 = arith.addi %broadcast_in_dim3A_439, %add3A_444 : vector<16xi32>
      %select_n3A_446 = arith.select %lt3A_442, %add3A_445, %broadcast_in_dim3A_439 : vector<16xi1>, vector<16xi32>
      %broadcast_in_dim3A_447 = vector.shape_cast %select_n3A_446 : vector<16xi32> to vector<16x1xi32>
      %gather3A_448 = vector.shape_cast %broadcast_in_dim3A_447 : vector<16x1xi32> to vector<16xi32>
      %gather3A_449 = tpu.dynamic_gather %get3A_247[%gather3A_448] in [0] : vector<16xf32>, vector<16xi32> -> vector<16xf32>
      %swap3A_450 = arith.constant 12 : i32
      %swap3A_451 = arith.index_cast %swap3A_450 : i32 to index
      %swap3A_452 = arith.constant 0 : index
      %swap3A_453 = tpu.vector_load %arg10[%swap3A_451, %swap3A_452] {strides = array<i32>} : memref<64x128xf32, #tpu.memory_space<vmem>>, vector<16xf32>,
      tpu.vector_store %arg10[%swap3A_451, %swap3A_452], %gather3A_449 {strides = array<i32>} : memref<64x128xf32, #tpu.memory_space<vmem>>, vector<16xf32>,
      %broadcast_in_dim3A_454 = arith.constant 13 : i32
      %broadcast_in_dim3A_455 = vector.broadcast %broadcast_in_dim3A_454 : i32 to vector<16xi32>
      %lt3A_456 = arith.constant 0 : i32
      %lt3A_457 = vector.broadcast %lt3A_456 : i32 to vector<16xi32>
      %lt3A_458 = arith.cmpi slt, %broadcast_in_dim3A_455, %lt3A_457 : vector<16xi32>
      %add3A_459 = arith.constant 16 : i32
      %add3A_460 = vector.broadcast %add3A_459 : i32 to vector<16xi32>
      %add3A_461 = arith.addi %broadcast_in_dim3A_455, %add3A_460 : vector<16xi32>
      %select_n3A_462 = arith.select %lt3A_458, %add3A_461, %broadcast_in_dim3A_455 : vector<16xi1>, vector<16xi32>
      %broadcast_in_dim3A_463 = vector.shape_cast %select_n3A_462 : vector<16xi32> to vector<16x1xi32>
      %gather3A_464 = vector.shape_cast %broadcast_in_dim3A_463 : vector<16x1xi32> to vector<16xi32>
      %gather3A_465 = tpu.dynamic_gather %get3A_247[%gather3A_464] in [0] : vector<16xf32>, vector<16xi32> -> vector<16xf32>
      %swap3A_466 = arith.constant 13 : i32
      %swap3A_467 = arith.index_cast %swap3A_466 : i32 to index
      %swap3A_468 = arith.constant 0 : index
      %swap3A_469 = tpu.vector_load %arg10[%swap3A_467, %swap3A_468] {strides = array<i32>} : memref<64x128xf32, #tpu.memory_space<vmem>>, vector<16xf32>,
      tpu.vector_store %arg10[%swap3A_467, %swap3A_468], %gather3A_465 {strides = array<i32>} : memref<64x128xf32, #tpu.memory_space<vmem>>, vector<16xf32>,
      %broadcast_in_dim3A_470 = arith.constant 14 : i32
      %broadcast_in_dim3A_471 = vector.broadcast %broadcast_in_dim3A_470 : i32 to vector<16xi32>
      %lt3A_472 = arith.constant 0 : i32
      %lt3A_473 = vector.broadcast %lt3A_472 : i32 to vector<16xi32>
      %lt3A_474 = arith.cmpi slt, %broadcast_in_dim3A_471, %lt3A_473 : vector<16xi32>
      %add3A_475 = arith.constant 16 : i32
      %add3A_476 = vector.broadcast %add3A_475 : i32 to vector<16xi32>
      %add3A_477 = arith.addi %broadcast_in_dim3A_471, %add3A_476 : vector<16xi32>
      %select_n3A_478 = arith.select %lt3A_474, %add3A_477, %broadcast_in_dim3A_471 : vector<16xi1>, vector<16xi32>
      %broadcast_in_dim3A_479 = vector.shape_cast %select_n3A_478 : vector<16xi32> to vector<16x1xi32>
      %gather3A_480 = vector.shape_cast %broadcast_in_dim3A_479 : vector<16x1xi32> to vector<16xi32>
      %gather3A_481 = tpu.dynamic_gather %get3A_247[%gather3A_480] in [0] : vector<16xf32>, vector<16xi32> -> vector<16xf32>
      %swap3A_482 = arith.constant 14 : i32
      %swap3A_483 = arith.index_cast %swap3A_482 : i32 to index
      %swap3A_484 = arith.constant 0 : index
      %swap3A_485 = tpu.vector_load %arg10[%swap3A_483, %swap3A_484] {strides = array<i32>} : memref<64x128xf32, #tpu.memory_space<vmem>>, vector<16xf32>,
      tpu.vector_store %arg10[%swap3A_483, %swap3A_484], %gather3A_481 {strides = array<i32>} : memref<64x128xf32, #tpu.memory_space<vmem>>, vector<16xf32>,
      %broadcast_in_dim3A_486 = arith.constant 15 : i32
      %broadcast_in_dim3A_487 = vector.broadcast %broadcast_in_dim3A_486 : i32 to vector<16xi32>
      %lt3A_488 = arith.constant 0 : i32
      %lt3A_489 = vector.broadcast %lt3A_488 : i32 to vector<16xi32>
      %lt3A_490 = arith.cmpi slt, %broadcast_in_dim3A_487, %lt3A_489 : vector<16xi32>
      %add3A_491 = arith.constant 16 : i32
      %add3A_492 = vector.broadcast %add3A_491 : i32 to vector<16xi32>
      %add3A_493 = arith.addi %broadcast_in_dim3A_487, %add3A_492 : vector<16xi32>
      %select_n3A_494 = arith.select %lt3A_490, %add3A_493, %broadcast_in_dim3A_487 : vector<16xi1>, vector<16xi32>
      %broadcast_in_dim3A_495 = vector.shape_cast %select_n3A_494 : vector<16xi32> to vector<16x1xi32>
      %gather3A_496 = vector.shape_cast %broadcast_in_dim3A_495 : vector<16x1xi32> to vector<16xi32>
      %gather3A_497 = tpu.dynamic_gather %get3A_247[%gather3A_496] in [0] : vector<16xf32>, vector<16xi32> -> vector<16xf32>
      %swap3A_498 = arith.constant 15 : i32
      %swap3A_499 = arith.index_cast %swap3A_498 : i32 to index
      %swap3A_500 = arith.constant 0 : index
      %swap3A_501 = tpu.vector_load %arg10[%swap3A_499, %swap3A_500] {strides = array<i32>} : memref<64x128xf32, #tpu.memory_space<vmem>>, vector<16xf32>,
      tpu.vector_store %arg10[%swap3A_499, %swap3A_500], %gather3A_497 {strides = array<i32>} : memref<64x128xf32, #tpu.memory_space<vmem>>, vector<16xf32>,
      %get3A_502 = arith.index_cast %add3A_163 : i32 to index
      %get3A_503 = arith.constant 16 : index
      %get3A_504 = tpu.vector_load %arg7[%get3A_502, %get3A_503] {strides = array<i32>} : memref<200x128xf32, #tpu.memory_space<vmem>>, vector<16xf32>,
      %broadcast_in_dim3A_505 = arith.constant 0 : i32
      %broadcast_in_dim3A_506 = vector.broadcast %broadcast_in_dim3A_505 : i32 to vector<16xi32>
      %lt3A_507 = arith.constant 0 : i32
      %lt3A_508 = vector.broadcast %lt3A_507 : i32 to vector<16xi32>
      %lt3A_509 = arith.cmpi slt, %broadcast_in_dim3A_506, %lt3A_508 : vector<16xi32>
      %add3A_510 = arith.constant 16 : i32
      %add3A_511 = vector.broadcast %add3A_510 : i32 to vector<16xi32>
      %add3A_512 = arith.addi %broadcast_in_dim3A_506, %add3A_511 : vector<16xi32>
      %select_n3A_513 = arith.select %lt3A_509, %add3A_512, %broadcast_in_dim3A_506 : vector<16xi1>, vector<16xi32>
      %broadcast_in_dim3A_514 = vector.shape_cast %select_n3A_513 : vector<16xi32> to vector<16x1xi32>
      %gather3A_515 = vector.shape_cast %broadcast_in_dim3A_514 : vector<16x1xi32> to vector<16xi32>
      %gather3A_516 = tpu.dynamic_gather %get3A_504[%gather3A_515] in [0] : vector<16xf32>, vector<16xi32> -> vector<16xf32>
      %swap3A_517 = arith.constant 16 : i32
      %swap3A_518 = arith.index_cast %swap3A_517 : i32 to index
      %swap3A_519 = arith.constant 0 : index
      %swap3A_520 = tpu.vector_load %arg10[%swap3A_518, %swap3A_519] {strides = array<i32>} : memref<64x128xf32, #tpu.memory_space<vmem>>, vector<16xf32>,
      tpu.vector_store %arg10[%swap3A_518, %swap3A_519], %gather3A_516 {strides = array<i32>} : memref<64x128xf32, #tpu.memory_space<vmem>>, vector<16xf32>,
      %broadcast_in_dim3A_521 = arith.constant 1 : i32
      %broadcast_in_dim3A_522 = vector.broadcast %broadcast_in_dim3A_521 : i32 to vector<16xi32>
      %lt3A_523 = arith.constant 0 : i32
      %lt3A_524 = vector.broadcast %lt3A_523 : i32 to vector<16xi32>
      %lt3A_525 = arith.cmpi slt, %broadcast_in_dim3A_522, %lt3A_524 : vector<16xi32>
      %add3A_526 = arith.constant 16 : i32
      %add3A_527 = vector.broadcast %add3A_526 : i32 to vector<16xi32>
      %add3A_528 = arith.addi %broadcast_in_dim3A_522, %add3A_527 : vector<16xi32>
      %select_n3A_529 = arith.select %lt3A_525, %add3A_528, %broadcast_in_dim3A_522 : vector<16xi1>, vector<16xi32>
      %broadcast_in_dim3A_530 = vector.shape_cast %select_n3A_529 : vector<16xi32> to vector<16x1xi32>
      %gather3A_531 = vector.shape_cast %broadcast_in_dim3A_530 : vector<16x1xi32> to vector<16xi32>
      %gather3A_532 = tpu.dynamic_gather %get3A_504[%gather3A_531] in [0] : vector<16xf32>, vector<16xi32> -> vector<16xf32>
      %swap3A_533 = arith.constant 17 : i32
      %swap3A_534 = arith.index_cast %swap3A_533 : i32 to index
      %swap3A_535 = arith.constant 0 : index
      %swap3A_536 = tpu.vector_load %arg10[%swap3A_534, %swap3A_535] {strides = array<i32>} : memref<64x128xf32, #tpu.memory_space<vmem>>, vector<16xf32>,
      tpu.vector_store %arg10[%swap3A_534, %swap3A_535], %gather3A_532 {strides = array<i32>} : memref<64x128xf32, #tpu.memory_space<vmem>>, vector<16xf32>,
      %broadcast_in_dim3A_537 = arith.constant 2 : i32
      %broadcast_in_dim3A_538 = vector.broadcast %broadcast_in_dim3A_537 : i32 to vector<16xi32>
      %lt3A_539 = arith.constant 0 : i32
      %lt3A_540 = vector.broadcast %lt3A_539 : i32 to vector<16xi32>
      %lt3A_541 = arith.cmpi slt, %broadcast_in_dim3A_538, %lt3A_540 : vector<16xi32>
      %add3A_542 = arith.constant 16 : i32
      %add3A_543 = vector.broadcast %add3A_542 : i32 to vector<16xi32>
      %add3A_544 = arith.addi %broadcast_in_dim3A_538, %add3A_543 : vector<16xi32>
      %select_n3A_545 = arith.select %lt3A_541, %add3A_544, %broadcast_in_dim3A_538 : vector<16xi1>, vector<16xi32>
      %broadcast_in_dim3A_546 = vector.shape_cast %select_n3A_545 : vector<16xi32> to vector<16x1xi32>
      %gather3A_547 = vector.shape_cast %broadcast_in_dim3A_546 : vector<16x1xi32> to vector<16xi32>
      %gather3A_548 = tpu.dynamic_gather %get3A_504[%gather3A_547] in [0] : vector<16xf32>, vector<16xi32> -> vector<16xf32>
      %swap3A_549 = arith.constant 18 : i32
      %swap3A_550 = arith.index_cast %swap3A_549 : i32 to index
      %swap3A_551 = arith.constant 0 : index
      %swap3A_552 = tpu.vector_load %arg10[%swap3A_550, %swap3A_551] {strides = array<i32>} : memref<64x128xf32, #tpu.memory_space<vmem>>, vector<16xf32>,
      tpu.vector_store %arg10[%swap3A_550, %swap3A_551], %gather3A_548 {strides = array<i32>} : memref<64x128xf32, #tpu.memory_space<vmem>>, vector<16xf32>,
      %broadcast_in_dim3A_553 = arith.constant 3 : i32
      %broadcast_in_dim3A_554 = vector.broadcast %broadcast_in_dim3A_553 : i32 to vector<16xi32>
      %lt3A_555 = arith.constant 0 : i32
      %lt3A_556 = vector.broadcast %lt3A_555 : i32 to vector<16xi32>
      %lt3A_557 = arith.cmpi slt, %broadcast_in_dim3A_554, %lt3A_556 : vector<16xi32>
      %add3A_558 = arith.constant 16 : i32
      %add3A_559 = vector.broadcast %add3A_558 : i32 to vector<16xi32>
      %add3A_560 = arith.addi %broadcast_in_dim3A_554, %add3A_559 : vector<16xi32>
      %select_n3A_561 = arith.select %lt3A_557, %add3A_560, %broadcast_in_dim3A_554 : vector<16xi1>, vector<16xi32>
      %broadcast_in_dim3A_562 = vector.shape_cast %select_n3A_561 : vector<16xi32> to vector<16x1xi32>
      %gather3A_563 = vector.shape_cast %broadcast_in_dim3A_562 : vector<16x1xi32> to vector<16xi32>
      %gather3A_564 = tpu.dynamic_gather %get3A_504[%gather3A_563] in [0] : vector<16xf32>, vector<16xi32> -> vector<16xf32>
      %swap3A_565 = arith.constant 19 : i32
      %swap3A_566 = arith.index_cast %swap3A_565 : i32 to index
      %swap3A_567 = arith.constant 0 : index
      %swap3A_568 = tpu.vector_load %arg10[%swap3A_566, %swap3A_567] {strides = array<i32>} : memref<64x128xf32, #tpu.memory_space<vmem>>, vector<16xf32>,
      tpu.vector_store %arg10[%swap3A_566, %swap3A_567], %gather3A_564 {strides = array<i32>} : memref<64x128xf32, #tpu.memory_space<vmem>>, vector<16xf32>,
      %broadcast_in_dim3A_569 = arith.constant 4 : i32
      %broadcast_in_dim3A_570 = vector.broadcast %broadcast_in_dim3A_569 : i32 to vector<16xi32>
      %lt3A_571 = arith.constant 0 : i32
      %lt3A_572 = vector.broadcast %lt3A_571 : i32 to vector<16xi32>
      %lt3A_573 = arith.cmpi slt, %broadcast_in_dim3A_570, %lt3A_572 : vector<16xi32>
      %add3A_574 = arith.constant 16 : i32
      %add3A_575 = vector.broadcast %add3A_574 : i32 to vector<16xi32>
      %add3A_576 = arith.addi %broadcast_in_dim3A_570, %add3A_575 : vector<16xi32>
      %select_n3A_577 = arith.select %lt3A_573, %add3A_576, %broadcast_in_dim3A_570 : vector<16xi1>, vector<16xi32>
      %broadcast_in_dim3A_578 = vector.shape_cast %select_n3A_577 : vector<16xi32> to vector<16x1xi32>
      %gather3A_579 = vector.shape_cast %broadcast_in_dim3A_578 : vector<16x1xi32> to vector<16xi32>
      %gather3A_580 = tpu.dynamic_gather %get3A_504[%gather3A_579] in [0] : vector<16xf32>, vector<16xi32> -> vector<16xf32>
      %swap3A_581 = arith.constant 20 : i32
      %swap3A_582 = arith.index_cast %swap3A_581 : i32 to index
      %swap3A_583 = arith.constant 0 : index
      %swap3A_584 = tpu.vector_load %arg10[%swap3A_582, %swap3A_583] {strides = array<i32>} : memref<64x128xf32, #tpu.memory_space<vmem>>, vector<16xf32>,
      tpu.vector_store %arg10[%swap3A_582, %swap3A_583], %gather3A_580 {strides = array<i32>} : memref<64x128xf32, #tpu.memory_space<vmem>>, vector<16xf32>,
      %broadcast_in_dim3A_585 = arith.constant 5 : i32
      %broadcast_in_dim3A_586 = vector.broadcast %broadcast_in_dim3A_585 : i32 to vector<16xi32>
      %lt3A_587 = arith.constant 0 : i32
      %lt3A_588 = vector.broadcast %lt3A_587 : i32 to vector<16xi32>
      %lt3A_589 = arith.cmpi slt, %broadcast_in_dim3A_586, %lt3A_588 : vector<16xi32>
      %add3A_590 = arith.constant 16 : i32
      %add3A_591 = vector.broadcast %add3A_590 : i32 to vector<16xi32>
      %add3A_592 = arith.addi %broadcast_in_dim3A_586, %add3A_591 : vector<16xi32>
      %select_n3A_593 = arith.select %lt3A_589, %add3A_592, %broadcast_in_dim3A_586 : vector<16xi1>, vector<16xi32>
      %broadcast_in_dim3A_594 = vector.shape_cast %select_n3A_593 : vector<16xi32> to vector<16x1xi32>
      %gather3A_595 = vector.shape_cast %broadcast_in_dim3A_594 : vector<16x1xi32> to vector<16xi32>
      %gather3A_596 = tpu.dynamic_gather %get3A_504[%gather3A_595] in [0] : vector<16xf32>, vector<16xi32> -> vector<16xf32>
      %swap3A_597 = arith.constant 21 : i32
      %swap3A_598 = arith.index_cast %swap3A_597 : i32 to index
      %swap3A_599 = arith.constant 0 : index
      %swap3A_600 = tpu.vector_load %arg10[%swap3A_598, %swap3A_599] {strides = array<i32>} : memref<64x128xf32, #tpu.memory_space<vmem>>, vector<16xf32>,
      tpu.vector_store %arg10[%swap3A_598, %swap3A_599], %gather3A_596 {strides = array<i32>} : memref<64x128xf32, #tpu.memory_space<vmem>>, vector<16xf32>,
      %broadcast_in_dim3A_601 = arith.constant 6 : i32
      %broadcast_in_dim3A_602 = vector.broadcast %broadcast_in_dim3A_601 : i32 to vector<16xi32>
      %lt3A_603 = arith.constant 0 : i32
      %lt3A_604 = vector.broadcast %lt3A_603 : i32 to vector<16xi32>
      %lt3A_605 = arith.cmpi slt, %broadcast_in_dim3A_602, %lt3A_604 : vector<16xi32>
      %add3A_606 = arith.constant 16 : i32
      %add3A_607 = vector.broadcast %add3A_606 : i32 to vector<16xi32>
      %add3A_608 = arith.addi %broadcast_in_dim3A_602, %add3A_607 : vector<16xi32>
      %select_n3A_609 = arith.select %lt3A_605, %add3A_608, %broadcast_in_dim3A_602 : vector<16xi1>, vector<16xi32>
      %broadcast_in_dim3A_610 = vector.shape_cast %select_n3A_609 : vector<16xi32> to vector<16x1xi32>
      %gather3A_611 = vector.shape_cast %broadcast_in_dim3A_610 : vector<16x1xi32> to vector<16xi32>
      %gather3A_612 = tpu.dynamic_gather %get3A_504[%gather3A_611] in [0] : vector<16xf32>, vector<16xi32> -> vector<16xf32>
      %swap3A_613 = arith.constant 22 : i32
      %swap3A_614 = arith.index_cast %swap3A_613 : i32 to index
      %swap3A_615 = arith.constant 0 : index
      %swap3A_616 = tpu.vector_load %arg10[%swap3A_614, %swap3A_615] {strides = array<i32>} : memref<64x128xf32, #tpu.memory_space<vmem>>, vector<16xf32>,
      tpu.vector_store %arg10[%swap3A_614, %swap3A_615], %gather3A_612 {strides = array<i32>} : memref<64x128xf32, #tpu.memory_space<vmem>>, vector<16xf32>,
      %broadcast_in_dim3A_617 = arith.constant 7 : i32
      %broadcast_in_dim3A_618 = vector.broadcast %broadcast_in_dim3A_617 : i32 to vector<16xi32>
      %lt3A_619 = arith.constant 0 : i32
      %lt3A_620 = vector.broadcast %lt3A_619 : i32 to vector<16xi32>
      %lt3A_621 = arith.cmpi slt, %broadcast_in_dim3A_618, %lt3A_620 : vector<16xi32>
      %add3A_622 = arith.constant 16 : i32
      %add3A_623 = vector.broadcast %add3A_622 : i32 to vector<16xi32>
      %add3A_624 = arith.addi %broadcast_in_dim3A_618, %add3A_623 : vector<16xi32>
      %select_n3A_625 = arith.select %lt3A_621, %add3A_624, %broadcast_in_dim3A_618 : vector<16xi1>, vector<16xi32>
      %broadcast_in_dim3A_626 = vector.shape_cast %select_n3A_625 : vector<16xi32> to vector<16x1xi32>
      %gather3A_627 = vector.shape_cast %broadcast_in_dim3A_626 : vector<16x1xi32> to vector<16xi32>
      %gather3A_628 = tpu.dynamic_gather %get3A_504[%gather3A_627] in [0] : vector<16xf32>, vector<16xi32> -> vector<16xf32>
      %swap3A_629 = arith.constant 23 : i32
      %swap3A_630 = arith.index_cast %swap3A_629 : i32 to index
      %swap3A_631 = arith.constant 0 : index
      %swap3A_632 = tpu.vector_load %arg10[%swap3A_630, %swap3A_631] {strides = array<i32>} : memref<64x128xf32, #tpu.memory_space<vmem>>, vector<16xf32>,
      tpu.vector_store %arg10[%swap3A_630, %swap3A_631], %gather3A_628 {strides = array<i32>} : memref<64x128xf32, #tpu.memory_space<vmem>>, vector<16xf32>,
      %broadcast_in_dim3A_633 = arith.constant 8 : i32
      %broadcast_in_dim3A_634 = vector.broadcast %broadcast_in_dim3A_633 : i32 to vector<16xi32>
      %lt3A_635 = arith.constant 0 : i32
      %lt3A_636 = vector.broadcast %lt3A_635 : i32 to vector<16xi32>
      %lt3A_637 = arith.cmpi slt, %broadcast_in_dim3A_634, %lt3A_636 : vector<16xi32>
      %add3A_638 = arith.constant 16 : i32
      %add3A_639 = vector.broadcast %add3A_638 : i32 to vector<16xi32>
      %add3A_640 = arith.addi %broadcast_in_dim3A_634, %add3A_639 : vector<16xi32>
      %select_n3A_641 = arith.select %lt3A_637, %add3A_640, %broadcast_in_dim3A_634 : vector<16xi1>, vector<16xi32>
      %broadcast_in_dim3A_642 = vector.shape_cast %select_n3A_641 : vector<16xi32> to vector<16x1xi32>
      %gather3A_643 = vector.shape_cast %broadcast_in_dim3A_642 : vector<16x1xi32> to vector<16xi32>
      %gather3A_644 = tpu.dynamic_gather %get3A_504[%gather3A_643] in [0] : vector<16xf32>, vector<16xi32> -> vector<16xf32>
      %swap3A_645 = arith.constant 24 : i32
      %swap3A_646 = arith.index_cast %swap3A_645 : i32 to index
      %swap3A_647 = arith.constant 0 : index
      %swap3A_648 = tpu.vector_load %arg10[%swap3A_646, %swap3A_647] {strides = array<i32>} : memref<64x128xf32, #tpu.memory_space<vmem>>, vector<16xf32>,
      tpu.vector_store %arg10[%swap3A_646, %swap3A_647], %gather3A_644 {strides = array<i32>} : memref<64x128xf32, #tpu.memory_space<vmem>>, vector<16xf32>,
      %broadcast_in_dim3A_649 = arith.constant 9 : i32
      %broadcast_in_dim3A_650 = vector.broadcast %broadcast_in_dim3A_649 : i32 to vector<16xi32>
      %lt3A_651 = arith.constant 0 : i32
      %lt3A_652 = vector.broadcast %lt3A_651 : i32 to vector<16xi32>
      %lt3A_653 = arith.cmpi slt, %broadcast_in_dim3A_650, %lt3A_652 : vector<16xi32>
      %add3A_654 = arith.constant 16 : i32
      %add3A_655 = vector.broadcast %add3A_654 : i32 to vector<16xi32>
      %add3A_656 = arith.addi %broadcast_in_dim3A_650, %add3A_655 : vector<16xi32>
      %select_n3A_657 = arith.select %lt3A_653, %add3A_656, %broadcast_in_dim3A_650 : vector<16xi1>, vector<16xi32>
      %broadcast_in_dim3A_658 = vector.shape_cast %select_n3A_657 : vector<16xi32> to vector<16x1xi32>
      %gather3A_659 = vector.shape_cast %broadcast_in_dim3A_658 : vector<16x1xi32> to vector<16xi32>
      %gather3A_660 = tpu.dynamic_gather %get3A_504[%gather3A_659] in [0] : vector<16xf32>, vector<16xi32> -> vector<16xf32>
      %swap3A_661 = arith.constant 25 : i32
      %swap3A_662 = arith.index_cast %swap3A_661 : i32 to index
      %swap3A_663 = arith.constant 0 : index
      %swap3A_664 = tpu.vector_load %arg10[%swap3A_662, %swap3A_663] {strides = array<i32>} : memref<64x128xf32, #tpu.memory_space<vmem>>, vector<16xf32>,
      tpu.vector_store %arg10[%swap3A_662, %swap3A_663], %gather3A_660 {strides = array<i32>} : memref<64x128xf32, #tpu.memory_space<vmem>>, vector<16xf32>,
      %broadcast_in_dim3A_665 = arith.constant 10 : i32
      %broadcast_in_dim3A_666 = vector.broadcast %broadcast_in_dim3A_665 : i32 to vector<16xi32>
      %lt3A_667 = arith.constant 0 : i32
      %lt3A_668 = vector.broadcast %lt3A_667 : i32 to vector<16xi32>
      %lt3A_669 = arith.cmpi slt, %broadcast_in_dim3A_666, %lt3A_668 : vector<16xi32>
      %add3A_670 = arith.constant 16 : i32
      %add3A_671 = vector.broadcast %add3A_670 : i32 to vector<16xi32>
      %add3A_672 = arith.addi %broadcast_in_dim3A_666, %add3A_671 : vector<16xi32>
      %select_n3A_673 = arith.select %lt3A_669, %add3A_672, %broadcast_in_dim3A_666 : vector<16xi1>, vector<16xi32>
      %broadcast_in_dim3A_674 = vector.shape_cast %select_n3A_673 : vector<16xi32> to vector<16x1xi32>
      %gather3A_675 = vector.shape_cast %broadcast_in_dim3A_674 : vector<16x1xi32> to vector<16xi32>
      %gather3A_676 = tpu.dynamic_gather %get3A_504[%gather3A_675] in [0] : vector<16xf32>, vector<16xi32> -> vector<16xf32>
      %swap3A_677 = arith.constant 26 : i32
      %swap3A_678 = arith.index_cast %swap3A_677 : i32 to index
      %swap3A_679 = arith.constant 0 : index
      %swap3A_680 = tpu.vector_load %arg10[%swap3A_678, %swap3A_679] {strides = array<i32>} : memref<64x128xf32, #tpu.memory_space<vmem>>, vector<16xf32>,
      tpu.vector_store %arg10[%swap3A_678, %swap3A_679], %gather3A_676 {strides = array<i32>} : memref<64x128xf32, #tpu.memory_space<vmem>>, vector<16xf32>,
      %broadcast_in_dim3A_681 = arith.constant 11 : i32
      %broadcast_in_dim3A_682 = vector.broadcast %broadcast_in_dim3A_681 : i32 to vector<16xi32>
      %lt3A_683 = arith.constant 0 : i32
      %lt3A_684 = vector.broadcast %lt3A_683 : i32 to vector<16xi32>
      %lt3A_685 = arith.cmpi slt, %broadcast_in_dim3A_682, %lt3A_684 : vector<16xi32>
      %add3A_686 = arith.constant 16 : i32
      %add3A_687 = vector.broadcast %add3A_686 : i32 to vector<16xi32>
      %add3A_688 = arith.addi %broadcast_in_dim3A_682, %add3A_687 : vector<16xi32>
      %select_n3A_689 = arith.select %lt3A_685, %add3A_688, %broadcast_in_dim3A_682 : vector<16xi1>, vector<16xi32>
      %broadcast_in_dim3A_690 = vector.shape_cast %select_n3A_689 : vector<16xi32> to vector<16x1xi32>
      %gather3A_691 = vector.shape_cast %broadcast_in_dim3A_690 : vector<16x1xi32> to vector<16xi32>
      %gather3A_692 = tpu.dynamic_gather %get3A_504[%gather3A_691] in [0] : vector<16xf32>, vector<16xi32> -> vector<16xf32>
      %swap3A_693 = arith.constant 27 : i32
      %swap3A_694 = arith.index_cast %swap3A_693 : i32 to index
      %swap3A_695 = arith.constant 0 : index
      %swap3A_696 = tpu.vector_load %arg10[%swap3A_694, %swap3A_695] {strides = array<i32>} : memref<64x128xf32, #tpu.memory_space<vmem>>, vector<16xf32>,
      tpu.vector_store %arg10[%swap3A_694, %swap3A_695], %gather3A_692 {strides = array<i32>} : memref<64x128xf32, #tpu.memory_space<vmem>>, vector<16xf32>,
      %broadcast_in_dim3A_697 = arith.constant 12 : i32
      %broadcast_in_dim3A_698 = vector.broadcast %broadcast_in_dim3A_697 : i32 to vector<16xi32>
      %lt3A_699 = arith.constant 0 : i32
      %lt3A_700 = vector.broadcast %lt3A_699 : i32 to vector<16xi32>
      %lt3A_701 = arith.cmpi slt, %broadcast_in_dim3A_698, %lt3A_700 : vector<16xi32>
      %add3A_702 = arith.constant 16 : i32
      %add3A_703 = vector.broadcast %add3A_702 : i32 to vector<16xi32>
      %add3A_704 = arith.addi %broadcast_in_dim3A_698, %add3A_703 : vector<16xi32>
      %select_n3A_705 = arith.select %lt3A_701, %add3A_704, %broadcast_in_dim3A_698 : vector<16xi1>, vector<16xi32>
      %broadcast_in_dim3A_706 = vector.shape_cast %select_n3A_705 : vector<16xi32> to vector<16x1xi32>
      %gather3A_707 = vector.shape_cast %broadcast_in_dim3A_706 : vector<16x1xi32> to vector<16xi32>
      %gather3A_708 = tpu.dynamic_gather %get3A_504[%gather3A_707] in [0] : vector<16xf32>, vector<16xi32> -> vector<16xf32>
      %swap3A_709 = arith.constant 28 : i32
      %swap3A_710 = arith.index_cast %swap3A_709 : i32 to index
      %swap3A_711 = arith.constant 0 : index
      %swap3A_712 = tpu.vector_load %arg10[%swap3A_710, %swap3A_711] {strides = array<i32>} : memref<64x128xf32, #tpu.memory_space<vmem>>, vector<16xf32>,
      tpu.vector_store %arg10[%swap3A_710, %swap3A_711], %gather3A_708 {strides = array<i32>} : memref<64x128xf32, #tpu.memory_space<vmem>>, vector<16xf32>,
      %broadcast_in_dim3A_713 = arith.constant 13 : i32
      %broadcast_in_dim3A_714 = vector.broadcast %broadcast_in_dim3A_713 : i32 to vector<16xi32>
      %lt3A_715 = arith.constant 0 : i32
      %lt3A_716 = vector.broadcast %lt3A_715 : i32 to vector<16xi32>
      %lt3A_717 = arith.cmpi slt, %broadcast_in_dim3A_714, %lt3A_716 : vector<16xi32>
      %add3A_718 = arith.constant 16 : i32
      %add3A_719 = vector.broadcast %add3A_718 : i32 to vector<16xi32>
      %add3A_720 = arith.addi %broadcast_in_dim3A_714, %add3A_719 : vector<16xi32>
      %select_n3A_721 = arith.select %lt3A_717, %add3A_720, %broadcast_in_dim3A_714 : vector<16xi1>, vector<16xi32>
      %broadcast_in_dim3A_722 = vector.shape_cast %select_n3A_721 : vector<16xi32> to vector<16x1xi32>
      %gather3A_723 = vector.shape_cast %broadcast_in_dim3A_722 : vector<16x1xi32> to vector<16xi32>
      %gather3A_724 = tpu.dynamic_gather %get3A_504[%gather3A_723] in [0] : vector<16xf32>, vector<16xi32> -> vector<16xf32>
      %swap3A_725 = arith.constant 29 : i32
      %swap3A_726 = arith.index_cast %swap3A_725 : i32 to index
      %swap3A_727 = arith.constant 0 : index
      %swap3A_728 = tpu.vector_load %arg10[%swap3A_726, %swap3A_727] {strides = array<i32>} : memref<64x128xf32, #tpu.memory_space<vmem>>, vector<16xf32>,
      tpu.vector_store %arg10[%swap3A_726, %swap3A_727], %gather3A_724 {strides = array<i32>} : memref<64x128xf32, #tpu.memory_space<vmem>>, vector<16xf32>,
      %broadcast_in_dim3A_729 = arith.constant 14 : i32
      %broadcast_in_dim3A_730 = vector.broadcast %broadcast_in_dim3A_729 : i32 to vector<16xi32>
      %lt3A_731 = arith.constant 0 : i32
      %lt3A_732 = vector.broadcast %lt3A_731 : i32 to vector<16xi32>
      %lt3A_733 = arith.cmpi slt, %broadcast_in_dim3A_730, %lt3A_732 : vector<16xi32>
      %add3A_734 = arith.constant 16 : i32
      %add3A_735 = vector.broadcast %add3A_734 : i32 to vector<16xi32>
      %add3A_736 = arith.addi %broadcast_in_dim3A_730, %add3A_735 : vector<16xi32>
      %select_n3A_737 = arith.select %lt3A_733, %add3A_736, %broadcast_in_dim3A_730 : vector<16xi1>, vector<16xi32>
      %broadcast_in_dim3A_738 = vector.shape_cast %select_n3A_737 : vector<16xi32> to vector<16x1xi32>
      %gather3A_739 = vector.shape_cast %broadcast_in_dim3A_738 : vector<16x1xi32> to vector<16xi32>
      %gather3A_740 = tpu.dynamic_gather %get3A_504[%gather3A_739] in [0] : vector<16xf32>, vector<16xi32> -> vector<16xf32>
      %swap3A_741 = arith.constant 30 : i32
      %swap3A_742 = arith.index_cast %swap3A_741 : i32 to index
      %swap3A_743 = arith.constant 0 : index
      %swap3A_744 = tpu.vector_load %arg10[%swap3A_742, %swap3A_743] {strides = array<i32>} : memref<64x128xf32, #tpu.memory_space<vmem>>, vector<16xf32>,
      tpu.vector_store %arg10[%swap3A_742, %swap3A_743], %gather3A_740 {strides = array<i32>} : memref<64x128xf32, #tpu.memory_space<vmem>>, vector<16xf32>,
      %broadcast_in_dim3A_745 = arith.constant 15 : i32
      %broadcast_in_dim3A_746 = vector.broadcast %broadcast_in_dim3A_745 : i32 to vector<16xi32>
      %lt3A_747 = arith.constant 0 : i32
      %lt3A_748 = vector.broadcast %lt3A_747 : i32 to vector<16xi32>
      %lt3A_749 = arith.cmpi slt, %broadcast_in_dim3A_746, %lt3A_748 : vector<16xi32>
      %add3A_750 = arith.constant 16 : i32
      %add3A_751 = vector.broadcast %add3A_750 : i32 to vector<16xi32>
      %add3A_752 = arith.addi %broadcast_in_dim3A_746, %add3A_751 : vector<16xi32>
      %select_n3A_753 = arith.select %lt3A_749, %add3A_752, %broadcast_in_dim3A_746 : vector<16xi1>, vector<16xi32>
      %broadcast_in_dim3A_754 = vector.shape_cast %select_n3A_753 : vector<16xi32> to vector<16x1xi32>
      %gather3A_755 = vector.shape_cast %broadcast_in_dim3A_754 : vector<16x1xi32> to vector<16xi32>
      %gather3A_756 = tpu.dynamic_gather %get3A_504[%gather3A_755] in [0] : vector<16xf32>, vector<16xi32> -> vector<16xf32>
      %swap3A_757 = arith.constant 31 : i32
      %swap3A_758 = arith.index_cast %swap3A_757 : i32 to index
      %swap3A_759 = arith.constant 0 : index
      %swap3A_760 = tpu.vector_load %arg10[%swap3A_758, %swap3A_759] {strides = array<i32>} : memref<64x128xf32, #tpu.memory_space<vmem>>, vector<16xf32>,
      tpu.vector_store %arg10[%swap3A_758, %swap3A_759], %gather3A_756 {strides = array<i32>} : memref<64x128xf32, #tpu.memory_space<vmem>>, vector<16xf32>,
      %get3A_761 = arith.index_cast %add3A_163 : i32 to index
      %get3A_762 = arith.constant 32 : index
      %get3A_763 = tpu.vector_load %arg7[%get3A_761, %get3A_762] {strides = array<i32>} : memref<200x128xf32, #tpu.memory_space<vmem>>, vector<16xf32>,
      %broadcast_in_dim3A_764 = arith.constant 0 : i32
      %broadcast_in_dim3A_765 = vector.broadcast %broadcast_in_dim3A_764 : i32 to vector<16xi32>
      %lt3A_766 = arith.constant 0 : i32
      %lt3A_767 = vector.broadcast %lt3A_766 : i32 to vector<16xi32>
      %lt3A_768 = arith.cmpi slt, %broadcast_in_dim3A_765, %lt3A_767 : vector<16xi32>
      %add3A_769 = arith.constant 16 : i32
      %add3A_770 = vector.broadcast %add3A_769 : i32 to vector<16xi32>
      %add3A_771 = arith.addi %broadcast_in_dim3A_765, %add3A_770 : vector<16xi32>
      %select_n3A_772 = arith.select %lt3A_768, %add3A_771, %broadcast_in_dim3A_765 : vector<16xi1>, vector<16xi32>
      %broadcast_in_dim3A_773 = vector.shape_cast %select_n3A_772 : vector<16xi32> to vector<16x1xi32>
      %gather3A_774 = vector.shape_cast %broadcast_in_dim3A_773 : vector<16x1xi32> to vector<16xi32>
      %gather3A_775 = tpu.dynamic_gather %get3A_763[%gather3A_774] in [0] : vector<16xf32>, vector<16xi32> -> vector<16xf32>
      %swap3A_776 = arith.constant 32 : i32
      %swap3A_777 = arith.index_cast %swap3A_776 : i32 to index
      %swap3A_778 = arith.constant 0 : index
      %swap3A_779 = tpu.vector_load %arg10[%swap3A_777, %swap3A_778] {strides = array<i32>} : memref<64x128xf32, #tpu.memory_space<vmem>>, vector<16xf32>,
      tpu.vector_store %arg10[%swap3A_777, %swap3A_778], %gather3A_775 {strides = array<i32>} : memref<64x128xf32, #tpu.memory_space<vmem>>, vector<16xf32>,
      %broadcast_in_dim3A_780 = arith.constant 1 : i32
      %broadcast_in_dim3A_781 = vector.broadcast %broadcast_in_dim3A_780 : i32 to vector<16xi32>
      %lt3A_782 = arith.constant 0 : i32
      %lt3A_783 = vector.broadcast %lt3A_782 : i32 to vector<16xi32>
      %lt3A_784 = arith.cmpi slt, %broadcast_in_dim3A_781, %lt3A_783 : vector<16xi32>
      %add3A_785 = arith.constant 16 : i32
      %add3A_786 = vector.broadcast %add3A_785 : i32 to vector<16xi32>
      %add3A_787 = arith.addi %broadcast_in_dim3A_781, %add3A_786 : vector<16xi32>
      %select_n3A_788 = arith.select %lt3A_784, %add3A_787, %broadcast_in_dim3A_781 : vector<16xi1>, vector<16xi32>
      %broadcast_in_dim3A_789 = vector.shape_cast %select_n3A_788 : vector<16xi32> to vector<16x1xi32>
      %gather3A_790 = vector.shape_cast %broadcast_in_dim3A_789 : vector<16x1xi32> to vector<16xi32>
      %gather3A_791 = tpu.dynamic_gather %get3A_763[%gather3A_790] in [0] : vector<16xf32>, vector<16xi32> -> vector<16xf32>
      %swap3A_792 = arith.constant 33 : i32
      %swap3A_793 = arith.index_cast %swap3A_792 : i32 to index
      %swap3A_794 = arith.constant 0 : index
      %swap3A_795 = tpu.vector_load %arg10[%swap3A_793, %swap3A_794] {strides = array<i32>} : memref<64x128xf32, #tpu.memory_space<vmem>>, vector<16xf32>,
      tpu.vector_store %arg10[%swap3A_793, %swap3A_794], %gather3A_791 {strides = array<i32>} : memref<64x128xf32, #tpu.memory_space<vmem>>, vector<16xf32>,
      %broadcast_in_dim3A_796 = arith.constant 2 : i32
      %broadcast_in_dim3A_797 = vector.broadcast %broadcast_in_dim3A_796 : i32 to vector<16xi32>
      %lt3A_798 = arith.constant 0 : i32
      %lt3A_799 = vector.broadcast %lt3A_798 : i32 to vector<16xi32>
      %lt3A_800 = arith.cmpi slt, %broadcast_in_dim3A_797, %lt3A_799 : vector<16xi32>
      %add3A_801 = arith.constant 16 : i32
      %add3A_802 = vector.broadcast %add3A_801 : i32 to vector<16xi32>
      %add3A_803 = arith.addi %broadcast_in_dim3A_797, %add3A_802 : vector<16xi32>
      %select_n3A_804 = arith.select %lt3A_800, %add3A_803, %broadcast_in_dim3A_797 : vector<16xi1>, vector<16xi32>
      %broadcast_in_dim3A_805 = vector.shape_cast %select_n3A_804 : vector<16xi32> to vector<16x1xi32>
      %gather3A_806 = vector.shape_cast %broadcast_in_dim3A_805 : vector<16x1xi32> to vector<16xi32>
      %gather3A_807 = tpu.dynamic_gather %get3A_763[%gather3A_806] in [0] : vector<16xf32>, vector<16xi32> -> vector<16xf32>
      %swap3A_808 = arith.constant 34 : i32
      %swap3A_809 = arith.index_cast %swap3A_808 : i32 to index
      %swap3A_810 = arith.constant 0 : index
      %swap3A_811 = tpu.vector_load %arg10[%swap3A_809, %swap3A_810] {strides = array<i32>} : memref<64x128xf32, #tpu.memory_space<vmem>>, vector<16xf32>,
      tpu.vector_store %arg10[%swap3A_809, %swap3A_810], %gather3A_807 {strides = array<i32>} : memref<64x128xf32, #tpu.memory_space<vmem>>, vector<16xf32>,
      %broadcast_in_dim3A_812 = arith.constant 3 : i32
      %broadcast_in_dim3A_813 = vector.broadcast %broadcast_in_dim3A_812 : i32 to vector<16xi32>
      %lt3A_814 = arith.constant 0 : i32
      %lt3A_815 = vector.broadcast %lt3A_814 : i32 to vector<16xi32>
      %lt3A_816 = arith.cmpi slt, %broadcast_in_dim3A_813, %lt3A_815 : vector<16xi32>
      %add3A_817 = arith.constant 16 : i32
      %add3A_818 = vector.broadcast %add3A_817 : i32 to vector<16xi32>
      %add3A_819 = arith.addi %broadcast_in_dim3A_813, %add3A_818 : vector<16xi32>
      %select_n3A_820 = arith.select %lt3A_816, %add3A_819, %broadcast_in_dim3A_813 : vector<16xi1>, vector<16xi32>
      %broadcast_in_dim3A_821 = vector.shape_cast %select_n3A_820 : vector<16xi32> to vector<16x1xi32>
      %gather3A_822 = vector.shape_cast %broadcast_in_dim3A_821 : vector<16x1xi32> to vector<16xi32>
      %gather3A_823 = tpu.dynamic_gather %get3A_763[%gather3A_822] in [0] : vector<16xf32>, vector<16xi32> -> vector<16xf32>
      %swap3A_824 = arith.constant 35 : i32
      %swap3A_825 = arith.index_cast %swap3A_824 : i32 to index
      %swap3A_826 = arith.constant 0 : index
      %swap3A_827 = tpu.vector_load %arg10[%swap3A_825, %swap3A_826] {strides = array<i32>} : memref<64x128xf32, #tpu.memory_space<vmem>>, vector<16xf32>,
      tpu.vector_store %arg10[%swap3A_825, %swap3A_826], %gather3A_823 {strides = array<i32>} : memref<64x128xf32, #tpu.memory_space<vmem>>, vector<16xf32>,
      %broadcast_in_dim3A_828 = arith.constant 4 : i32
      %broadcast_in_dim3A_829 = vector.broadcast %broadcast_in_dim3A_828 : i32 to vector<16xi32>
      %lt3A_830 = arith.constant 0 : i32
      %lt3A_831 = vector.broadcast %lt3A_830 : i32 to vector<16xi32>
      %lt3A_832 = arith.cmpi slt, %broadcast_in_dim3A_829, %lt3A_831 : vector<16xi32>
      %add3A_833 = arith.constant 16 : i32
      %add3A_834 = vector.broadcast %add3A_833 : i32 to vector<16xi32>
      %add3A_835 = arith.addi %broadcast_in_dim3A_829, %add3A_834 : vector<16xi32>
      %select_n3A_836 = arith.select %lt3A_832, %add3A_835, %broadcast_in_dim3A_829 : vector<16xi1>, vector<16xi32>
      %broadcast_in_dim3A_837 = vector.shape_cast %select_n3A_836 : vector<16xi32> to vector<16x1xi32>
      %gather3A_838 = vector.shape_cast %broadcast_in_dim3A_837 : vector<16x1xi32> to vector<16xi32>
      %gather3A_839 = tpu.dynamic_gather %get3A_763[%gather3A_838] in [0] : vector<16xf32>, vector<16xi32> -> vector<16xf32>
      %swap3A_840 = arith.constant 36 : i32
      %swap3A_841 = arith.index_cast %swap3A_840 : i32 to index
      %swap3A_842 = arith.constant 0 : index
      %swap3A_843 = tpu.vector_load %arg10[%swap3A_841, %swap3A_842] {strides = array<i32>} : memref<64x128xf32, #tpu.memory_space<vmem>>, vector<16xf32>,
      tpu.vector_store %arg10[%swap3A_841, %swap3A_842], %gather3A_839 {strides = array<i32>} : memref<64x128xf32, #tpu.memory_space<vmem>>, vector<16xf32>,
      %broadcast_in_dim3A_844 = arith.constant 5 : i32
      %broadcast_in_dim3A_845 = vector.broadcast %broadcast_in_dim3A_844 : i32 to vector<16xi32>
      %lt3A_846 = arith.constant 0 : i32
      %lt3A_847 = vector.broadcast %lt3A_846 : i32 to vector<16xi32>
      %lt3A_848 = arith.cmpi slt, %broadcast_in_dim3A_845, %lt3A_847 : vector<16xi32>
      %add3A_849 = arith.constant 16 : i32
      %add3A_850 = vector.broadcast %add3A_849 : i32 to vector<16xi32>
      %add3A_851 = arith.addi %broadcast_in_dim3A_845, %add3A_850 : vector<16xi32>
      %select_n3A_852 = arith.select %lt3A_848, %add3A_851, %broadcast_in_dim3A_845 : vector<16xi1>, vector<16xi32>
      %broadcast_in_dim3A_853 = vector.shape_cast %select_n3A_852 : vector<16xi32> to vector<16x1xi32>
      %gather3A_854 = vector.shape_cast %broadcast_in_dim3A_853 : vector<16x1xi32> to vector<16xi32>
      %gather3A_855 = tpu.dynamic_gather %get3A_763[%gather3A_854] in [0] : vector<16xf32>, vector<16xi32> -> vector<16xf32>
      %swap3A_856 = arith.constant 37 : i32
      %swap3A_857 = arith.index_cast %swap3A_856 : i32 to index
      %swap3A_858 = arith.constant 0 : index
      %swap3A_859 = tpu.vector_load %arg10[%swap3A_857, %swap3A_858] {strides = array<i32>} : memref<64x128xf32, #tpu.memory_space<vmem>>, vector<16xf32>,
      tpu.vector_store %arg10[%swap3A_857, %swap3A_858], %gather3A_855 {strides = array<i32>} : memref<64x128xf32, #tpu.memory_space<vmem>>, vector<16xf32>,
      %broadcast_in_dim3A_860 = arith.constant 6 : i32
      %broadcast_in_dim3A_861 = vector.broadcast %broadcast_in_dim3A_860 : i32 to vector<16xi32>
      %lt3A_862 = arith.constant 0 : i32
      %lt3A_863 = vector.broadcast %lt3A_862 : i32 to vector<16xi32>
      %lt3A_864 = arith.cmpi slt, %broadcast_in_dim3A_861, %lt3A_863 : vector<16xi32>
      %add3A_865 = arith.constant 16 : i32
      %add3A_866 = vector.broadcast %add3A_865 : i32 to vector<16xi32>
      %add3A_867 = arith.addi %broadcast_in_dim3A_861, %add3A_866 : vector<16xi32>
      %select_n3A_868 = arith.select %lt3A_864, %add3A_867, %broadcast_in_dim3A_861 : vector<16xi1>, vector<16xi32>
      %broadcast_in_dim3A_869 = vector.shape_cast %select_n3A_868 : vector<16xi32> to vector<16x1xi32>
      %gather3A_870 = vector.shape_cast %broadcast_in_dim3A_869 : vector<16x1xi32> to vector<16xi32>
      %gather3A_871 = tpu.dynamic_gather %get3A_763[%gather3A_870] in [0] : vector<16xf32>, vector<16xi32> -> vector<16xf32>
      %swap3A_872 = arith.constant 38 : i32
      %swap3A_873 = arith.index_cast %swap3A_872 : i32 to index
      %swap3A_874 = arith.constant 0 : index
      %swap3A_875 = tpu.vector_load %arg10[%swap3A_873, %swap3A_874] {strides = array<i32>} : memref<64x128xf32, #tpu.memory_space<vmem>>, vector<16xf32>,
      tpu.vector_store %arg10[%swap3A_873, %swap3A_874], %gather3A_871 {strides = array<i32>} : memref<64x128xf32, #tpu.memory_space<vmem>>, vector<16xf32>,
      %broadcast_in_dim3A_876 = arith.constant 7 : i32
      %broadcast_in_dim3A_877 = vector.broadcast %broadcast_in_dim3A_876 : i32 to vector<16xi32>
      %lt3A_878 = arith.constant 0 : i32
      %lt3A_879 = vector.broadcast %lt3A_878 : i32 to vector<16xi32>
      %lt3A_880 = arith.cmpi slt, %broadcast_in_dim3A_877, %lt3A_879 : vector<16xi32>
      %add3A_881 = arith.constant 16 : i32
      %add3A_882 = vector.broadcast %add3A_881 : i32 to vector<16xi32>
      %add3A_883 = arith.addi %broadcast_in_dim3A_877, %add3A_882 : vector<16xi32>
      %select_n3A_884 = arith.select %lt3A_880, %add3A_883, %broadcast_in_dim3A_877 : vector<16xi1>, vector<16xi32>
      %broadcast_in_dim3A_885 = vector.shape_cast %select_n3A_884 : vector<16xi32> to vector<16x1xi32>
      %gather3A_886 = vector.shape_cast %broadcast_in_dim3A_885 : vector<16x1xi32> to vector<16xi32>
      %gather3A_887 = tpu.dynamic_gather %get3A_763[%gather3A_886] in [0] : vector<16xf32>, vector<16xi32> -> vector<16xf32>
      %swap3A_888 = arith.constant 39 : i32
      %swap3A_889 = arith.index_cast %swap3A_888 : i32 to index
      %swap3A_890 = arith.constant 0 : index
      %swap3A_891 = tpu.vector_load %arg10[%swap3A_889, %swap3A_890] {strides = array<i32>} : memref<64x128xf32, #tpu.memory_space<vmem>>, vector<16xf32>,
      tpu.vector_store %arg10[%swap3A_889, %swap3A_890], %gather3A_887 {strides = array<i32>} : memref<64x128xf32, #tpu.memory_space<vmem>>, vector<16xf32>,
      %broadcast_in_dim3A_892 = arith.constant 8 : i32
      %broadcast_in_dim3A_893 = vector.broadcast %broadcast_in_dim3A_892 : i32 to vector<16xi32>
      %lt3A_894 = arith.constant 0 : i32
      %lt3A_895 = vector.broadcast %lt3A_894 : i32 to vector<16xi32>
      %lt3A_896 = arith.cmpi slt, %broadcast_in_dim3A_893, %lt3A_895 : vector<16xi32>
      %add3A_897 = arith.constant 16 : i32
      %add3A_898 = vector.broadcast %add3A_897 : i32 to vector<16xi32>
      %add3A_899 = arith.addi %broadcast_in_dim3A_893, %add3A_898 : vector<16xi32>
      %select_n3A_900 = arith.select %lt3A_896, %add3A_899, %broadcast_in_dim3A_893 : vector<16xi1>, vector<16xi32>
      %broadcast_in_dim3A_901 = vector.shape_cast %select_n3A_900 : vector<16xi32> to vector<16x1xi32>
      %gather3A_902 = vector.shape_cast %broadcast_in_dim3A_901 : vector<16x1xi32> to vector<16xi32>
      %gather3A_903 = tpu.dynamic_gather %get3A_763[%gather3A_902] in [0] : vector<16xf32>, vector<16xi32> -> vector<16xf32>
      %swap3A_904 = arith.constant 40 : i32
      %swap3A_905 = arith.index_cast %swap3A_904 : i32 to index
      %swap3A_906 = arith.constant 0 : index
      %swap3A_907 = tpu.vector_load %arg10[%swap3A_905, %swap3A_906] {strides = array<i32>} : memref<64x128xf32, #tpu.memory_space<vmem>>, vector<16xf32>,
      tpu.vector_store %arg10[%swap3A_905, %swap3A_906], %gather3A_903 {strides = array<i32>} : memref<64x128xf32, #tpu.memory_space<vmem>>, vector<16xf32>,
      %broadcast_in_dim3A_908 = arith.constant 9 : i32
      %broadcast_in_dim3A_909 = vector.broadcast %broadcast_in_dim3A_908 : i32 to vector<16xi32>
      %lt3A_910 = arith.constant 0 : i32
      %lt3A_911 = vector.broadcast %lt3A_910 : i32 to vector<16xi32>
      %lt3A_912 = arith.cmpi slt, %broadcast_in_dim3A_909, %lt3A_911 : vector<16xi32>
      %add3A_913 = arith.constant 16 : i32
      %add3A_914 = vector.broadcast %add3A_913 : i32 to vector<16xi32>
      %add3A_915 = arith.addi %broadcast_in_dim3A_909, %add3A_914 : vector<16xi32>
      %select_n3A_916 = arith.select %lt3A_912, %add3A_915, %broadcast_in_dim3A_909 : vector<16xi1>, vector<16xi32>
      %broadcast_in_dim3A_917 = vector.shape_cast %select_n3A_916 : vector<16xi32> to vector<16x1xi32>
      %gather3A_918 = vector.shape_cast %broadcast_in_dim3A_917 : vector<16x1xi32> to vector<16xi32>
      %gather3A_919 = tpu.dynamic_gather %get3A_763[%gather3A_918] in [0] : vector<16xf32>, vector<16xi32> -> vector<16xf32>
      %swap3A_920 = arith.constant 41 : i32
      %swap3A_921 = arith.index_cast %swap3A_920 : i32 to index
      %swap3A_922 = arith.constant 0 : index
      %swap3A_923 = tpu.vector_load %arg10[%swap3A_921, %swap3A_922] {strides = array<i32>} : memref<64x128xf32, #tpu.memory_space<vmem>>, vector<16xf32>,
      tpu.vector_store %arg10[%swap3A_921, %swap3A_922], %gather3A_919 {strides = array<i32>} : memref<64x128xf32, #tpu.memory_space<vmem>>, vector<16xf32>,
      %broadcast_in_dim3A_924 = arith.constant 10 : i32
      %broadcast_in_dim3A_925 = vector.broadcast %broadcast_in_dim3A_924 : i32 to vector<16xi32>
      %lt3A_926 = arith.constant 0 : i32
      %lt3A_927 = vector.broadcast %lt3A_926 : i32 to vector<16xi32>
      %lt3A_928 = arith.cmpi slt, %broadcast_in_dim3A_925, %lt3A_927 : vector<16xi32>
      %add3A_929 = arith.constant 16 : i32
      %add3A_930 = vector.broadcast %add3A_929 : i32 to vector<16xi32>
      %add3A_931 = arith.addi %broadcast_in_dim3A_925, %add3A_930 : vector<16xi32>
      %select_n3A_932 = arith.select %lt3A_928, %add3A_931, %broadcast_in_dim3A_925 : vector<16xi1>, vector<16xi32>
      %broadcast_in_dim3A_933 = vector.shape_cast %select_n3A_932 : vector<16xi32> to vector<16x1xi32>
      %gather3A_934 = vector.shape_cast %broadcast_in_dim3A_933 : vector<16x1xi32> to vector<16xi32>
      %gather3A_935 = tpu.dynamic_gather %get3A_763[%gather3A_934] in [0] : vector<16xf32>, vector<16xi32> -> vector<16xf32>
      %swap3A_936 = arith.constant 42 : i32
      %swap3A_937 = arith.index_cast %swap3A_936 : i32 to index
      %swap3A_938 = arith.constant 0 : index
      %swap3A_939 = tpu.vector_load %arg10[%swap3A_937, %swap3A_938] {strides = array<i32>} : memref<64x128xf32, #tpu.memory_space<vmem>>, vector<16xf32>,
      tpu.vector_store %arg10[%swap3A_937, %swap3A_938], %gather3A_935 {strides = array<i32>} : memref<64x128xf32, #tpu.memory_space<vmem>>, vector<16xf32>,
      %broadcast_in_dim3A_940 = arith.constant 11 : i32
      %broadcast_in_dim3A_941 = vector.broadcast %broadcast_in_dim3A_940 : i32 to vector<16xi32>
      %lt3A_942 = arith.constant 0 : i32
      %lt3A_943 = vector.broadcast %lt3A_942 : i32 to vector<16xi32>
      %lt3A_944 = arith.cmpi slt, %broadcast_in_dim3A_941, %lt3A_943 : vector<16xi32>
      %add3A_945 = arith.constant 16 : i32
      %add3A_946 = vector.broadcast %add3A_945 : i32 to vector<16xi32>
      %add3A_947 = arith.addi %broadcast_in_dim3A_941, %add3A_946 : vector<16xi32>
      %select_n3A_948 = arith.select %lt3A_944, %add3A_947, %broadcast_in_dim3A_941 : vector<16xi1>, vector<16xi32>
      %broadcast_in_dim3A_949 = vector.shape_cast %select_n3A_948 : vector<16xi32> to vector<16x1xi32>
      %gather3A_950 = vector.shape_cast %broadcast_in_dim3A_949 : vector<16x1xi32> to vector<16xi32>
      %gather3A_951 = tpu.dynamic_gather %get3A_763[%gather3A_950] in [0] : vector<16xf32>, vector<16xi32> -> vector<16xf32>
      %swap3A_952 = arith.constant 43 : i32
      %swap3A_953 = arith.index_cast %swap3A_952 : i32 to index
      %swap3A_954 = arith.constant 0 : index
      %swap3A_955 = tpu.vector_load %arg10[%swap3A_953, %swap3A_954] {strides = array<i32>} : memref<64x128xf32, #tpu.memory_space<vmem>>, vector<16xf32>,
      tpu.vector_store %arg10[%swap3A_953, %swap3A_954], %gather3A_951 {strides = array<i32>} : memref<64x128xf32, #tpu.memory_space<vmem>>, vector<16xf32>,
      %broadcast_in_dim3A_956 = arith.constant 12 : i32
      %broadcast_in_dim3A_957 = vector.broadcast %broadcast_in_dim3A_956 : i32 to vector<16xi32>
      %lt3A_958 = arith.constant 0 : i32
      %lt3A_959 = vector.broadcast %lt3A_958 : i32 to vector<16xi32>
      %lt3A_960 = arith.cmpi slt, %broadcast_in_dim3A_957, %lt3A_959 : vector<16xi32>
      %add3A_961 = arith.constant 16 : i32
      %add3A_962 = vector.broadcast %add3A_961 : i32 to vector<16xi32>
      %add3A_963 = arith.addi %broadcast_in_dim3A_957, %add3A_962 : vector<16xi32>
      %select_n3A_964 = arith.select %lt3A_960, %add3A_963, %broadcast_in_dim3A_957 : vector<16xi1>, vector<16xi32>
      %broadcast_in_dim3A_965 = vector.shape_cast %select_n3A_964 : vector<16xi32> to vector<16x1xi32>
      %gather3A_966 = vector.shape_cast %broadcast_in_dim3A_965 : vector<16x1xi32> to vector<16xi32>
      %gather3A_967 = tpu.dynamic_gather %get3A_763[%gather3A_966] in [0] : vector<16xf32>, vector<16xi32> -> vector<16xf32>
      %swap3A_968 = arith.constant 44 : i32
      %swap3A_969 = arith.index_cast %swap3A_968 : i32 to index
      %swap3A_970 = arith.constant 0 : index
      %swap3A_971 = tpu.vector_load %arg10[%swap3A_969, %swap3A_970] {strides = array<i32>} : memref<64x128xf32, #tpu.memory_space<vmem>>, vector<16xf32>,
      tpu.vector_store %arg10[%swap3A_969, %swap3A_970], %gather3A_967 {strides = array<i32>} : memref<64x128xf32, #tpu.memory_space<vmem>>, vector<16xf32>,
      %broadcast_in_dim3A_972 = arith.constant 13 : i32
      %broadcast_in_dim3A_973 = vector.broadcast %broadcast_in_dim3A_972 : i32 to vector<16xi32>
      %lt3A_974 = arith.constant 0 : i32
      %lt3A_975 = vector.broadcast %lt3A_974 : i32 to vector<16xi32>
      %lt3A_976 = arith.cmpi slt, %broadcast_in_dim3A_973, %lt3A_975 : vector<16xi32>
      %add3A_977 = arith.constant 16 : i32
      %add3A_978 = vector.broadcast %add3A_977 : i32 to vector<16xi32>
      %add3A_979 = arith.addi %broadcast_in_dim3A_973, %add3A_978 : vector<16xi32>
      %select_n3A_980 = arith.select %lt3A_976, %add3A_979, %broadcast_in_dim3A_973 : vector<16xi1>, vector<16xi32>
      %broadcast_in_dim3A_981 = vector.shape_cast %select_n3A_980 : vector<16xi32> to vector<16x1xi32>
      %gather3A_982 = vector.shape_cast %broadcast_in_dim3A_981 : vector<16x1xi32> to vector<16xi32>
      %gather3A_983 = tpu.dynamic_gather %get3A_763[%gather3A_982] in [0] : vector<16xf32>, vector<16xi32> -> vector<16xf32>
      %swap3A_984 = arith.constant 45 : i32
      %swap3A_985 = arith.index_cast %swap3A_984 : i32 to index
      %swap3A_986 = arith.constant 0 : index
      %swap3A_987 = tpu.vector_load %arg10[%swap3A_985, %swap3A_986] {strides = array<i32>} : memref<64x128xf32, #tpu.memory_space<vmem>>, vector<16xf32>,
      tpu.vector_store %arg10[%swap3A_985, %swap3A_986], %gather3A_983 {strides = array<i32>} : memref<64x128xf32, #tpu.memory_space<vmem>>, vector<16xf32>,
      %broadcast_in_dim3A_988 = arith.constant 14 : i32
      %broadcast_in_dim3A_989 = vector.broadcast %broadcast_in_dim3A_988 : i32 to vector<16xi32>
      %lt3A_990 = arith.constant 0 : i32
      %lt3A_991 = vector.broadcast %lt3A_990 : i32 to vector<16xi32>
      %lt3A_992 = arith.cmpi slt, %broadcast_in_dim3A_989, %lt3A_991 : vector<16xi32>
      %add3A_993 = arith.constant 16 : i32
      %add3A_994 = vector.broadcast %add3A_993 : i32 to vector<16xi32>
      %add3A_995 = arith.addi %broadcast_in_dim3A_989, %add3A_994 : vector<16xi32>
      %select_n3A_996 = arith.select %lt3A_992, %add3A_995, %broadcast_in_dim3A_989 : vector<16xi1>, vector<16xi32>
      %broadcast_in_dim3A_997 = vector.shape_cast %select_n3A_996 : vector<16xi32> to vector<16x1xi32>
      %gather3A_998 = vector.shape_cast %broadcast_in_dim3A_997 : vector<16x1xi32> to vector<16xi32>
      %gather3A_999 = tpu.dynamic_gather %get3A_763[%gather3A_998] in [0] : vector<16xf32>, vector<16xi32> -> vector<16xf32>
      %swap3A_1000 = arith.constant 46 : i32
      %swap3A_1001 = arith.index_cast %swap3A_1000 : i32 to index
      %swap3A_1002 = arith.constant 0 : index
      %swap3A_1003 = tpu.vector_load %arg10[%swap3A_1001, %swap3A_1002] {strides = array<i32>} : memref<64x128xf32, #tpu.memory_space<vmem>>, vector<16xf32>,
      tpu.vector_store %arg10[%swap3A_1001, %swap3A_1002], %gather3A_999 {strides = array<i32>} : memref<64x128xf32, #tpu.memory_space<vmem>>, vector<16xf32>,
      %broadcast_in_dim3A_1004 = arith.constant 15 : i32
      %broadcast_in_dim3A_1005 = vector.broadcast %broadcast_in_dim3A_1004 : i32 to vector<16xi32>
      %lt3A_1006 = arith.constant 0 : i32
      %lt3A_1007 = vector.broadcast %lt3A_1006 : i32 to vector<16xi32>
      %lt3A_1008 = arith.cmpi slt, %broadcast_in_dim3A_1005, %lt3A_1007 : vector<16xi32>
      %add3A_1009 = arith.constant 16 : i32
      %add3A_1010 = vector.broadcast %add3A_1009 : i32 to vector<16xi32>
      %add3A_1011 = arith.addi %broadcast_in_dim3A_1005, %add3A_1010 : vector<16xi32>
      %select_n3A_1012 = arith.select %lt3A_1008, %add3A_1011, %broadcast_in_dim3A_1005 : vector<16xi1>, vector<16xi32>
      %broadcast_in_dim3A_1013 = vector.shape_cast %select_n3A_1012 : vector<16xi32> to vector<16x1xi32>
      %gather3A_1014 = vector.shape_cast %broadcast_in_dim3A_1013 : vector<16x1xi32> to vector<16xi32>
      %gather3A_1015 = tpu.dynamic_gather %get3A_763[%gather3A_1014] in [0] : vector<16xf32>, vector<16xi32> -> vector<16xf32>
      %swap3A_1016 = arith.constant 47 : i32
      %swap3A_1017 = arith.index_cast %swap3A_1016 : i32 to index
      %swap3A_1018 = arith.constant 0 : index
      %swap3A_1019 = tpu.vector_load %arg10[%swap3A_1017, %swap3A_1018] {strides = array<i32>} : memref<64x128xf32, #tpu.memory_space<vmem>>, vector<16xf32>,
      tpu.vector_store %arg10[%swap3A_1017, %swap3A_1018], %gather3A_1015 {strides = array<i32>} : memref<64x128xf32, #tpu.memory_space<vmem>>, vector<16xf32>,
      %get3A_1020 = arith.index_cast %add3A_163 : i32 to index
      %get3A_1021 = arith.constant 48 : index
      %get3A_1022 = tpu.vector_load %arg7[%get3A_1020, %get3A_1021] {strides = array<i32>} : memref<200x128xf32, #tpu.memory_space<vmem>>, vector<16xf32>,
      %broadcast_in_dim3A_1023 = arith.constant 0 : i32
      %broadcast_in_dim3A_1024 = vector.broadcast %broadcast_in_dim3A_1023 : i32 to vector<16xi32>
      %lt3A_1025 = arith.constant 0 : i32
      %lt3A_1026 = vector.broadcast %lt3A_1025 : i32 to vector<16xi32>
      %lt3A_1027 = arith.cmpi slt, %broadcast_in_dim3A_1024, %lt3A_1026 : vector<16xi32>
      %add3A_1028 = arith.constant 16 : i32
      %add3A_1029 = vector.broadcast %add3A_1028 : i32 to vector<16xi32>
      %add3A_1030 = arith.addi %broadcast_in_dim3A_1024, %add3A_1029 : vector<16xi32>
      %select_n3A_1031 = arith.select %lt3A_1027, %add3A_1030, %broadcast_in_dim3A_1024 : vector<16xi1>, vector<16xi32>
      %broadcast_in_dim3A_1032 = vector.shape_cast %select_n3A_1031 : vector<16xi32> to vector<16x1xi32>
      %gather3A_1033 = vector.shape_cast %broadcast_in_dim3A_1032 : vector<16x1xi32> to vector<16xi32>
      %gather3A_1034 = tpu.dynamic_gather %get3A_1022[%gather3A_1033] in [0] : vector<16xf32>, vector<16xi32> -> vector<16xf32>
      %swap3A_1035 = arith.constant 48 : i32
      %swap3A_1036 = arith.index_cast %swap3A_1035 : i32 to index
      %swap3A_1037 = arith.constant 0 : index
      %swap3A_1038 = tpu.vector_load %arg10[%swap3A_1036, %swap3A_1037] {strides = array<i32>} : memref<64x128xf32, #tpu.memory_space<vmem>>, vector<16xf32>,
      tpu.vector_store %arg10[%swap3A_1036, %swap3A_1037], %gather3A_1034 {strides = array<i32>} : memref<64x128xf32, #tpu.memory_space<vmem>>, vector<16xf32>,
      %broadcast_in_dim3A_1039 = arith.constant 1 : i32
      %broadcast_in_dim3A_1040 = vector.broadcast %broadcast_in_dim3A_1039 : i32 to vector<16xi32>
      %lt3A_1041 = arith.constant 0 : i32
      %lt3A_1042 = vector.broadcast %lt3A_1041 : i32 to vector<16xi32>
      %lt3A_1043 = arith.cmpi slt, %broadcast_in_dim3A_1040, %lt3A_1042 : vector<16xi32>
      %add3A_1044 = arith.constant 16 : i32
      %add3A_1045 = vector.broadcast %add3A_1044 : i32 to vector<16xi32>
      %add3A_1046 = arith.addi %broadcast_in_dim3A_1040, %add3A_1045 : vector<16xi32>
      %select_n3A_1047 = arith.select %lt3A_1043, %add3A_1046, %broadcast_in_dim3A_1040 : vector<16xi1>, vector<16xi32>
      %broadcast_in_dim3A_1048 = vector.shape_cast %select_n3A_1047 : vector<16xi32> to vector<16x1xi32>
      %gather3A_1049 = vector.shape_cast %broadcast_in_dim3A_1048 : vector<16x1xi32> to vector<16xi32>
      %gather3A_1050 = tpu.dynamic_gather %get3A_1022[%gather3A_1049] in [0] : vector<16xf32>, vector<16xi32> -> vector<16xf32>
      %swap3A_1051 = arith.constant 49 : i32
      %swap3A_1052 = arith.index_cast %swap3A_1051 : i32 to index
      %swap3A_1053 = arith.constant 0 : index
      %swap3A_1054 = tpu.vector_load %arg10[%swap3A_1052, %swap3A_1053] {strides = array<i32>} : memref<64x128xf32, #tpu.memory_space<vmem>>, vector<16xf32>,
      tpu.vector_store %arg10[%swap3A_1052, %swap3A_1053], %gather3A_1050 {strides = array<i32>} : memref<64x128xf32, #tpu.memory_space<vmem>>, vector<16xf32>,
      %broadcast_in_dim3A_1055 = arith.constant 2 : i32
      %broadcast_in_dim3A_1056 = vector.broadcast %broadcast_in_dim3A_1055 : i32 to vector<16xi32>
      %lt3A_1057 = arith.constant 0 : i32
      %lt3A_1058 = vector.broadcast %lt3A_1057 : i32 to vector<16xi32>
      %lt3A_1059 = arith.cmpi slt, %broadcast_in_dim3A_1056, %lt3A_1058 : vector<16xi32>
      %add3A_1060 = arith.constant 16 : i32
      %add3A_1061 = vector.broadcast %add3A_1060 : i32 to vector<16xi32>
      %add3A_1062 = arith.addi %broadcast_in_dim3A_1056, %add3A_1061 : vector<16xi32>
      %select_n3A_1063 = arith.select %lt3A_1059, %add3A_1062, %broadcast_in_dim3A_1056 : vector<16xi1>, vector<16xi32>
      %broadcast_in_dim3A_1064 = vector.shape_cast %select_n3A_1063 : vector<16xi32> to vector<16x1xi32>
      %gather3A_1065 = vector.shape_cast %broadcast_in_dim3A_1064 : vector<16x1xi32> to vector<16xi32>
      %gather3A_1066 = tpu.dynamic_gather %get3A_1022[%gather3A_1065] in [0] : vector<16xf32>, vector<16xi32> -> vector<16xf32>
      %swap3A_1067 = arith.constant 50 : i32
      %swap3A_1068 = arith.index_cast %swap3A_1067 : i32 to index
      %swap3A_1069 = arith.constant 0 : index
      %swap3A_1070 = tpu.vector_load %arg10[%swap3A_1068, %swap3A_1069] {strides = array<i32>} : memref<64x128xf32, #tpu.memory_space<vmem>>, vector<16xf32>,
      tpu.vector_store %arg10[%swap3A_1068, %swap3A_1069], %gather3A_1066 {strides = array<i32>} : memref<64x128xf32, #tpu.memory_space<vmem>>, vector<16xf32>,
      %broadcast_in_dim3A_1071 = arith.constant 3 : i32
      %broadcast_in_dim3A_1072 = vector.broadcast %broadcast_in_dim3A_1071 : i32 to vector<16xi32>
      %lt3A_1073 = arith.constant 0 : i32
      %lt3A_1074 = vector.broadcast %lt3A_1073 : i32 to vector<16xi32>
      %lt3A_1075 = arith.cmpi slt, %broadcast_in_dim3A_1072, %lt3A_1074 : vector<16xi32>
      %add3A_1076 = arith.constant 16 : i32
      %add3A_1077 = vector.broadcast %add3A_1076 : i32 to vector<16xi32>
      %add3A_1078 = arith.addi %broadcast_in_dim3A_1072, %add3A_1077 : vector<16xi32>
      %select_n3A_1079 = arith.select %lt3A_1075, %add3A_1078, %broadcast_in_dim3A_1072 : vector<16xi1>, vector<16xi32>
      %broadcast_in_dim3A_1080 = vector.shape_cast %select_n3A_1079 : vector<16xi32> to vector<16x1xi32>
      %gather3A_1081 = vector.shape_cast %broadcast_in_dim3A_1080 : vector<16x1xi32> to vector<16xi32>
      %gather3A_1082 = tpu.dynamic_gather %get3A_1022[%gather3A_1081] in [0] : vector<16xf32>, vector<16xi32> -> vector<16xf32>
      %swap3A_1083 = arith.constant 51 : i32
      %swap3A_1084 = arith.index_cast %swap3A_1083 : i32 to index
      %swap3A_1085 = arith.constant 0 : index
      %swap3A_1086 = tpu.vector_load %arg10[%swap3A_1084, %swap3A_1085] {strides = array<i32>} : memref<64x128xf32, #tpu.memory_space<vmem>>, vector<16xf32>,
      tpu.vector_store %arg10[%swap3A_1084, %swap3A_1085], %gather3A_1082 {strides = array<i32>} : memref<64x128xf32, #tpu.memory_space<vmem>>, vector<16xf32>,
      %broadcast_in_dim3A_1087 = arith.constant 4 : i32
      %broadcast_in_dim3A_1088 = vector.broadcast %broadcast_in_dim3A_1087 : i32 to vector<16xi32>
      %lt3A_1089 = arith.constant 0 : i32
      %lt3A_1090 = vector.broadcast %lt3A_1089 : i32 to vector<16xi32>
      %lt3A_1091 = arith.cmpi slt, %broadcast_in_dim3A_1088, %lt3A_1090 : vector<16xi32>
      %add3A_1092 = arith.constant 16 : i32
      %add3A_1093 = vector.broadcast %add3A_1092 : i32 to vector<16xi32>
      %add3A_1094 = arith.addi %broadcast_in_dim3A_1088, %add3A_1093 : vector<16xi32>
      %select_n3A_1095 = arith.select %lt3A_1091, %add3A_1094, %broadcast_in_dim3A_1088 : vector<16xi1>, vector<16xi32>
      %broadcast_in_dim3A_1096 = vector.shape_cast %select_n3A_1095 : vector<16xi32> to vector<16x1xi32>
      %gather3A_1097 = vector.shape_cast %broadcast_in_dim3A_1096 : vector<16x1xi32> to vector<16xi32>
      %gather3A_1098 = tpu.dynamic_gather %get3A_1022[%gather3A_1097] in [0] : vector<16xf32>, vector<16xi32> -> vector<16xf32>
      %swap3A_1099 = arith.constant 52 : i32
      %swap3A_1100 = arith.index_cast %swap3A_1099 : i32 to index
      %swap3A_1101 = arith.constant 0 : index
      %swap3A_1102 = tpu.vector_load %arg10[%swap3A_1100, %swap3A_1101] {strides = array<i32>} : memref<64x128xf32, #tpu.memory_space<vmem>>, vector<16xf32>,
      tpu.vector_store %arg10[%swap3A_1100, %swap3A_1101], %gather3A_1098 {strides = array<i32>} : memref<64x128xf32, #tpu.memory_space<vmem>>, vector<16xf32>,
      %broadcast_in_dim3A_1103 = arith.constant 5 : i32
      %broadcast_in_dim3A_1104 = vector.broadcast %broadcast_in_dim3A_1103 : i32 to vector<16xi32>
      %lt3A_1105 = arith.constant 0 : i32
      %lt3A_1106 = vector.broadcast %lt3A_1105 : i32 to vector<16xi32>
      %lt3A_1107 = arith.cmpi slt, %broadcast_in_dim3A_1104, %lt3A_1106 : vector<16xi32>
      %add3A_1108 = arith.constant 16 : i32
      %add3A_1109 = vector.broadcast %add3A_1108 : i32 to vector<16xi32>
      %add3A_1110 = arith.addi %broadcast_in_dim3A_1104, %add3A_1109 : vector<16xi32>
      %select_n3A_1111 = arith.select %lt3A_1107, %add3A_1110, %broadcast_in_dim3A_1104 : vector<16xi1>, vector<16xi32>
      %broadcast_in_dim3A_1112 = vector.shape_cast %select_n3A_1111 : vector<16xi32> to vector<16x1xi32>
      %gather3A_1113 = vector.shape_cast %broadcast_in_dim3A_1112 : vector<16x1xi32> to vector<16xi32>
      %gather3A_1114 = tpu.dynamic_gather %get3A_1022[%gather3A_1113] in [0] : vector<16xf32>, vector<16xi32> -> vector<16xf32>
      %swap3A_1115 = arith.constant 53 : i32
      %swap3A_1116 = arith.index_cast %swap3A_1115 : i32 to index
      %swap3A_1117 = arith.constant 0 : index
      %swap3A_1118 = tpu.vector_load %arg10[%swap3A_1116, %swap3A_1117] {strides = array<i32>} : memref<64x128xf32, #tpu.memory_space<vmem>>, vector<16xf32>,
      tpu.vector_store %arg10[%swap3A_1116, %swap3A_1117], %gather3A_1114 {strides = array<i32>} : memref<64x128xf32, #tpu.memory_space<vmem>>, vector<16xf32>,
      %broadcast_in_dim3A_1119 = arith.constant 6 : i32
      %broadcast_in_dim3A_1120 = vector.broadcast %broadcast_in_dim3A_1119 : i32 to vector<16xi32>
      %lt3A_1121 = arith.constant 0 : i32
      %lt3A_1122 = vector.broadcast %lt3A_1121 : i32 to vector<16xi32>
      %lt3A_1123 = arith.cmpi slt, %broadcast_in_dim3A_1120, %lt3A_1122 : vector<16xi32>
      %add3A_1124 = arith.constant 16 : i32
      %add3A_1125 = vector.broadcast %add3A_1124 : i32 to vector<16xi32>
      %add3A_1126 = arith.addi %broadcast_in_dim3A_1120, %add3A_1125 : vector<16xi32>
      %select_n3A_1127 = arith.select %lt3A_1123, %add3A_1126, %broadcast_in_dim3A_1120 : vector<16xi1>, vector<16xi32>
      %broadcast_in_dim3A_1128 = vector.shape_cast %select_n3A_1127 : vector<16xi32> to vector<16x1xi32>
      %gather3A_1129 = vector.shape_cast %broadcast_in_dim3A_1128 : vector<16x1xi32> to vector<16xi32>
      %gather3A_1130 = tpu.dynamic_gather %get3A_1022[%gather3A_1129] in [0] : vector<16xf32>, vector<16xi32> -> vector<16xf32>
      %swap3A_1131 = arith.constant 54 : i32
      %swap3A_1132 = arith.index_cast %swap3A_1131 : i32 to index
      %swap3A_1133 = arith.constant 0 : index
      %swap3A_1134 = tpu.vector_load %arg10[%swap3A_1132, %swap3A_1133] {strides = array<i32>} : memref<64x128xf32, #tpu.memory_space<vmem>>, vector<16xf32>,
      tpu.vector_store %arg10[%swap3A_1132, %swap3A_1133], %gather3A_1130 {strides = array<i32>} : memref<64x128xf32, #tpu.memory_space<vmem>>, vector<16xf32>,
      %broadcast_in_dim3A_1135 = arith.constant 7 : i32
      %broadcast_in_dim3A_1136 = vector.broadcast %broadcast_in_dim3A_1135 : i32 to vector<16xi32>
      %lt3A_1137 = arith.constant 0 : i32
      %lt3A_1138 = vector.broadcast %lt3A_1137 : i32 to vector<16xi32>
      %lt3A_1139 = arith.cmpi slt, %broadcast_in_dim3A_1136, %lt3A_1138 : vector<16xi32>
      %add3A_1140 = arith.constant 16 : i32
      %add3A_1141 = vector.broadcast %add3A_1140 : i32 to vector<16xi32>
      %add3A_1142 = arith.addi %broadcast_in_dim3A_1136, %add3A_1141 : vector<16xi32>
      %select_n3A_1143 = arith.select %lt3A_1139, %add3A_1142, %broadcast_in_dim3A_1136 : vector<16xi1>, vector<16xi32>
      %broadcast_in_dim3A_1144 = vector.shape_cast %select_n3A_1143 : vector<16xi32> to vector<16x1xi32>
      %gather3A_1145 = vector.shape_cast %broadcast_in_dim3A_1144 : vector<16x1xi32> to vector<16xi32>
      %gather3A_1146 = tpu.dynamic_gather %get3A_1022[%gather3A_1145] in [0] : vector<16xf32>, vector<16xi32> -> vector<16xf32>
      %swap3A_1147 = arith.constant 55 : i32
      %swap3A_1148 = arith.index_cast %swap3A_1147 : i32 to index
      %swap3A_1149 = arith.constant 0 : index
      %swap3A_1150 = tpu.vector_load %arg10[%swap3A_1148, %swap3A_1149] {strides = array<i32>} : memref<64x128xf32, #tpu.memory_space<vmem>>, vector<16xf32>,
      tpu.vector_store %arg10[%swap3A_1148, %swap3A_1149], %gather3A_1146 {strides = array<i32>} : memref<64x128xf32, #tpu.memory_space<vmem>>, vector<16xf32>,
      %broadcast_in_dim3A_1151 = arith.constant 8 : i32
      %broadcast_in_dim3A_1152 = vector.broadcast %broadcast_in_dim3A_1151 : i32 to vector<16xi32>
      %lt3A_1153 = arith.constant 0 : i32
      %lt3A_1154 = vector.broadcast %lt3A_1153 : i32 to vector<16xi32>
      %lt3A_1155 = arith.cmpi slt, %broadcast_in_dim3A_1152, %lt3A_1154 : vector<16xi32>
      %add3A_1156 = arith.constant 16 : i32
      %add3A_1157 = vector.broadcast %add3A_1156 : i32 to vector<16xi32>
      %add3A_1158 = arith.addi %broadcast_in_dim3A_1152, %add3A_1157 : vector<16xi32>
      %select_n3A_1159 = arith.select %lt3A_1155, %add3A_1158, %broadcast_in_dim3A_1152 : vector<16xi1>, vector<16xi32>
      %broadcast_in_dim3A_1160 = vector.shape_cast %select_n3A_1159 : vector<16xi32> to vector<16x1xi32>
      %gather3A_1161 = vector.shape_cast %broadcast_in_dim3A_1160 : vector<16x1xi32> to vector<16xi32>
      %gather3A_1162 = tpu.dynamic_gather %get3A_1022[%gather3A_1161] in [0] : vector<16xf32>, vector<16xi32> -> vector<16xf32>
      %swap3A_1163 = arith.constant 56 : i32
      %swap3A_1164 = arith.index_cast %swap3A_1163 : i32 to index
      %swap3A_1165 = arith.constant 0 : index
      %swap3A_1166 = tpu.vector_load %arg10[%swap3A_1164, %swap3A_1165] {strides = array<i32>} : memref<64x128xf32, #tpu.memory_space<vmem>>, vector<16xf32>,
      tpu.vector_store %arg10[%swap3A_1164, %swap3A_1165], %gather3A_1162 {strides = array<i32>} : memref<64x128xf32, #tpu.memory_space<vmem>>, vector<16xf32>,
      %broadcast_in_dim3A_1167 = arith.constant 9 : i32
      %broadcast_in_dim3A_1168 = vector.broadcast %broadcast_in_dim3A_1167 : i32 to vector<16xi32>
      %lt3A_1169 = arith.constant 0 : i32
      %lt3A_1170 = vector.broadcast %lt3A_1169 : i32 to vector<16xi32>
      %lt3A_1171 = arith.cmpi slt, %broadcast_in_dim3A_1168, %lt3A_1170 : vector<16xi32>
      %add3A_1172 = arith.constant 16 : i32
      %add3A_1173 = vector.broadcast %add3A_1172 : i32 to vector<16xi32>
      %add3A_1174 = arith.addi %broadcast_in_dim3A_1168, %add3A_1173 : vector<16xi32>
      %select_n3A_1175 = arith.select %lt3A_1171, %add3A_1174, %broadcast_in_dim3A_1168 : vector<16xi1>, vector<16xi32>
      %broadcast_in_dim3A_1176 = vector.shape_cast %select_n3A_1175 : vector<16xi32> to vector<16x1xi32>
      %gather3A_1177 = vector.shape_cast %broadcast_in_dim3A_1176 : vector<16x1xi32> to vector<16xi32>
      %gather3A_1178 = tpu.dynamic_gather %get3A_1022[%gather3A_1177] in [0] : vector<16xf32>, vector<16xi32> -> vector<16xf32>
      %swap3A_1179 = arith.constant 57 : i32
      %swap3A_1180 = arith.index_cast %swap3A_1179 : i32 to index
      %swap3A_1181 = arith.constant 0 : index
      %swap3A_1182 = tpu.vector_load %arg10[%swap3A_1180, %swap3A_1181] {strides = array<i32>} : memref<64x128xf32, #tpu.memory_space<vmem>>, vector<16xf32>,
      tpu.vector_store %arg10[%swap3A_1180, %swap3A_1181], %gather3A_1178 {strides = array<i32>} : memref<64x128xf32, #tpu.memory_space<vmem>>, vector<16xf32>,
      %broadcast_in_dim3A_1183 = arith.constant 10 : i32
      %broadcast_in_dim3A_1184 = vector.broadcast %broadcast_in_dim3A_1183 : i32 to vector<16xi32>
      %lt3A_1185 = arith.constant 0 : i32
      %lt3A_1186 = vector.broadcast %lt3A_1185 : i32 to vector<16xi32>
      %lt3A_1187 = arith.cmpi slt, %broadcast_in_dim3A_1184, %lt3A_1186 : vector<16xi32>
      %add3A_1188 = arith.constant 16 : i32
      %add3A_1189 = vector.broadcast %add3A_1188 : i32 to vector<16xi32>
      %add3A_1190 = arith.addi %broadcast_in_dim3A_1184, %add3A_1189 : vector<16xi32>
      %select_n3A_1191 = arith.select %lt3A_1187, %add3A_1190, %broadcast_in_dim3A_1184 : vector<16xi1>, vector<16xi32>
      %broadcast_in_dim3A_1192 = vector.shape_cast %select_n3A_1191 : vector<16xi32> to vector<16x1xi32>
      %gather3A_1193 = vector.shape_cast %broadcast_in_dim3A_1192 : vector<16x1xi32> to vector<16xi32>
      %gather3A_1194 = tpu.dynamic_gather %get3A_1022[%gather3A_1193] in [0] : vector<16xf32>, vector<16xi32> -> vector<16xf32>
      %swap3A_1195 = arith.constant 58 : i32
      %swap3A_1196 = arith.index_cast %swap3A_1195 : i32 to index
      %swap3A_1197 = arith.constant 0 : index
      %swap3A_1198 = tpu.vector_load %arg10[%swap3A_1196, %swap3A_1197] {strides = array<i32>} : memref<64x128xf32, #tpu.memory_space<vmem>>, vector<16xf32>,
      tpu.vector_store %arg10[%swap3A_1196, %swap3A_1197], %gather3A_1194 {strides = array<i32>} : memref<64x128xf32, #tpu.memory_space<vmem>>, vector<16xf32>,
      %broadcast_in_dim3A_1199 = arith.constant 11 : i32
      %broadcast_in_dim3A_1200 = vector.broadcast %broadcast_in_dim3A_1199 : i32 to vector<16xi32>
      %lt3A_1201 = arith.constant 0 : i32
      %lt3A_1202 = vector.broadcast %lt3A_1201 : i32 to vector<16xi32>
      %lt3A_1203 = arith.cmpi slt, %broadcast_in_dim3A_1200, %lt3A_1202 : vector<16xi32>
      %add3A_1204 = arith.constant 16 : i32
      %add3A_1205 = vector.broadcast %add3A_1204 : i32 to vector<16xi32>
      %add3A_1206 = arith.addi %broadcast_in_dim3A_1200, %add3A_1205 : vector<16xi32>
      %select_n3A_1207 = arith.select %lt3A_1203, %add3A_1206, %broadcast_in_dim3A_1200 : vector<16xi1>, vector<16xi32>
      %broadcast_in_dim3A_1208 = vector.shape_cast %select_n3A_1207 : vector<16xi32> to vector<16x1xi32>
      %gather3A_1209 = vector.shape_cast %broadcast_in_dim3A_1208 : vector<16x1xi32> to vector<16xi32>
      %gather3A_1210 = tpu.dynamic_gather %get3A_1022[%gather3A_1209] in [0] : vector<16xf32>, vector<16xi32> -> vector<16xf32>
      %swap3A_1211 = arith.constant 59 : i32
      %swap3A_1212 = arith.index_cast %swap3A_1211 : i32 to index
      %swap3A_1213 = arith.constant 0 : index
      %swap3A_1214 = tpu.vector_load %arg10[%swap3A_1212, %swap3A_1213] {strides = array<i32>} : memref<64x128xf32, #tpu.memory_space<vmem>>, vector<16xf32>,
      tpu.vector_store %arg10[%swap3A_1212, %swap3A_1213], %gather3A_1210 {strides = array<i32>} : memref<64x128xf32, #tpu.memory_space<vmem>>, vector<16xf32>,
      %broadcast_in_dim3A_1215 = arith.constant 12 : i32
      %broadcast_in_dim3A_1216 = vector.broadcast %broadcast_in_dim3A_1215 : i32 to vector<16xi32>
      %lt3A_1217 = arith.constant 0 : i32
      %lt3A_1218 = vector.broadcast %lt3A_1217 : i32 to vector<16xi32>
      %lt3A_1219 = arith.cmpi slt, %broadcast_in_dim3A_1216, %lt3A_1218 : vector<16xi32>
      %add3A_1220 = arith.constant 16 : i32
      %add3A_1221 = vector.broadcast %add3A_1220 : i32 to vector<16xi32>
      %add3A_1222 = arith.addi %broadcast_in_dim3A_1216, %add3A_1221 : vector<16xi32>
      %select_n3A_1223 = arith.select %lt3A_1219, %add3A_1222, %broadcast_in_dim3A_1216 : vector<16xi1>, vector<16xi32>
      %broadcast_in_dim3A_1224 = vector.shape_cast %select_n3A_1223 : vector<16xi32> to vector<16x1xi32>
      %gather3A_1225 = vector.shape_cast %broadcast_in_dim3A_1224 : vector<16x1xi32> to vector<16xi32>
      %gather3A_1226 = tpu.dynamic_gather %get3A_1022[%gather3A_1225] in [0] : vector<16xf32>, vector<16xi32> -> vector<16xf32>
      %swap3A_1227 = arith.constant 60 : i32
      %swap3A_1228 = arith.index_cast %swap3A_1227 : i32 to index
      %swap3A_1229 = arith.constant 0 : index
      %swap3A_1230 = tpu.vector_load %arg10[%swap3A_1228, %swap3A_1229] {strides = array<i32>} : memref<64x128xf32, #tpu.memory_space<vmem>>, vector<16xf32>,
      tpu.vector_store %arg10[%swap3A_1228, %swap3A_1229], %gather3A_1226 {strides = array<i32>} : memref<64x128xf32, #tpu.memory_space<vmem>>, vector<16xf32>,
      %broadcast_in_dim3A_1231 = arith.constant 13 : i32
      %broadcast_in_dim3A_1232 = vector.broadcast %broadcast_in_dim3A_1231 : i32 to vector<16xi32>
      %lt3A_1233 = arith.constant 0 : i32
      %lt3A_1234 = vector.broadcast %lt3A_1233 : i32 to vector<16xi32>
      %lt3A_1235 = arith.cmpi slt, %broadcast_in_dim3A_1232, %lt3A_1234 : vector<16xi32>
      %add3A_1236 = arith.constant 16 : i32
      %add3A_1237 = vector.broadcast %add3A_1236 : i32 to vector<16xi32>
      %add3A_1238 = arith.addi %broadcast_in_dim3A_1232, %add3A_1237 : vector<16xi32>
      %select_n3A_1239 = arith.select %lt3A_1235, %add3A_1238, %broadcast_in_dim3A_1232 : vector<16xi1>, vector<16xi32>
      %broadcast_in_dim3A_1240 = vector.shape_cast %select_n3A_1239 : vector<16xi32> to vector<16x1xi32>
      %gather3A_1241 = vector.shape_cast %broadcast_in_dim3A_1240 : vector<16x1xi32> to vector<16xi32>
      %gather3A_1242 = tpu.dynamic_gather %get3A_1022[%gather3A_1241] in [0] : vector<16xf32>, vector<16xi32> -> vector<16xf32>
      %swap3A_1243 = arith.constant 61 : i32
      %swap3A_1244 = arith.index_cast %swap3A_1243 : i32 to index
      %swap3A_1245 = arith.constant 0 : index
      %swap3A_1246 = tpu.vector_load %arg10[%swap3A_1244, %swap3A_1245] {strides = array<i32>} : memref<64x128xf32, #tpu.memory_space<vmem>>, vector<16xf32>,
      tpu.vector_store %arg10[%swap3A_1244, %swap3A_1245], %gather3A_1242 {strides = array<i32>} : memref<64x128xf32, #tpu.memory_space<vmem>>, vector<16xf32>,
      %broadcast_in_dim3A_1247 = arith.constant 14 : i32
      %broadcast_in_dim3A_1248 = vector.broadcast %broadcast_in_dim3A_1247 : i32 to vector<16xi32>
      %lt3A_1249 = arith.constant 0 : i32
      %lt3A_1250 = vector.broadcast %lt3A_1249 : i32 to vector<16xi32>
      %lt3A_1251 = arith.cmpi slt, %broadcast_in_dim3A_1248, %lt3A_1250 : vector<16xi32>
      %add3A_1252 = arith.constant 16 : i32
      %add3A_1253 = vector.broadcast %add3A_1252 : i32 to vector<16xi32>
      %add3A_1254 = arith.addi %broadcast_in_dim3A_1248, %add3A_1253 : vector<16xi32>
      %select_n3A_1255 = arith.select %lt3A_1251, %add3A_1254, %broadcast_in_dim3A_1248 : vector<16xi1>, vector<16xi32>
      %broadcast_in_dim3A_1256 = vector.shape_cast %select_n3A_1255 : vector<16xi32> to vector<16x1xi32>
      %gather3A_1257 = vector.shape_cast %broadcast_in_dim3A_1256 : vector<16x1xi32> to vector<16xi32>
      %gather3A_1258 = tpu.dynamic_gather %get3A_1022[%gather3A_1257] in [0] : vector<16xf32>, vector<16xi32> -> vector<16xf32>
      %swap3A_1259 = arith.constant 62 : i32
      %swap3A_1260 = arith.index_cast %swap3A_1259 : i32 to index
      %swap3A_1261 = arith.constant 0 : index
      %swap3A_1262 = tpu.vector_load %arg10[%swap3A_1260, %swap3A_1261] {strides = array<i32>} : memref<64x128xf32, #tpu.memory_space<vmem>>, vector<16xf32>,
      tpu.vector_store %arg10[%swap3A_1260, %swap3A_1261], %gather3A_1258 {strides = array<i32>} : memref<64x128xf32, #tpu.memory_space<vmem>>, vector<16xf32>,
      %broadcast_in_dim3A_1263 = arith.constant 15 : i32
      %broadcast_in_dim3A_1264 = vector.broadcast %broadcast_in_dim3A_1263 : i32 to vector<16xi32>
      %lt3A_1265 = arith.constant 0 : i32
      %lt3A_1266 = vector.broadcast %lt3A_1265 : i32 to vector<16xi32>
      %lt3A_1267 = arith.cmpi slt, %broadcast_in_dim3A_1264, %lt3A_1266 : vector<16xi32>
      %add3A_1268 = arith.constant 16 : i32
      %add3A_1269 = vector.broadcast %add3A_1268 : i32 to vector<16xi32>
      %add3A_1270 = arith.addi %broadcast_in_dim3A_1264, %add3A_1269 : vector<16xi32>
      %select_n3A_1271 = arith.select %lt3A_1267, %add3A_1270, %broadcast_in_dim3A_1264 : vector<16xi1>, vector<16xi32>
      %broadcast_in_dim3A_1272 = vector.shape_cast %select_n3A_1271 : vector<16xi32> to vector<16x1xi32>
      %gather3A_1273 = vector.shape_cast %broadcast_in_dim3A_1272 : vector<16x1xi32> to vector<16xi32>
      %gather3A_1274 = tpu.dynamic_gather %get3A_1022[%gather3A_1273] in [0] : vector<16xf32>, vector<16xi32> -> vector<16xf32>
      %swap3A_1275 = arith.constant 63 : i32
      %swap3A_1276 = arith.index_cast %swap3A_1275 : i32 to index
      %swap3A_1277 = arith.constant 0 : index
      %swap3A_1278 = tpu.vector_load %arg10[%swap3A_1276, %swap3A_1277] {strides = array<i32>} : memref<64x128xf32, #tpu.memory_space<vmem>>, vector<16xf32>,
      tpu.vector_store %arg10[%swap3A_1276, %swap3A_1277], %gather3A_1274 {strides = array<i32>} : memref<64x128xf32, #tpu.memory_space<vmem>>, vector<16xf32>,
      %add3A_1279 = arith.constant 1 : i32
      %add3A_1280 = arith.addi %scan3A_160, %add3A_1279 : i32
      %lt3A_1281 = arith.constant 50 : i32
      %lt3A_1282 = arith.cmpi slt, %add3A_1280, %lt3A_1281 : i32
      %convert_element_type3A = arith.extui %lt3A_1282 : i1 to i32
      %cond3A = arith.constant 0 : i32
      %cond3A_1283 = arith.cmpi ne, %convert_element_type3A, %cond3A : i32
      scf.if %cond3A_1283 {
        %add3A_1306 = arith.constant 1 : i32
        %add3A_1307 = arith.addi %scan3A_160, %add3A_1306 : i32
        %sub3A_1308 = arith.constant 1 : i32
        %sub3A_1309 = arith.subi %sub3A_1308, %rem3A_162 : i32
        %add3A_1310 = arith.addi %mul3A_34, %add3A_1307 : i32
        %get3A_1311 = arith.index_cast %add3A_1310 : i32 to index
        %get3A_1312 = arith.constant 0 : index
        %get3A_1313 = tpu.vector_load %arg6[%get3A_1311, %get3A_1312] {strides = array<i32>} : memref<200x128xi32, #tpu.memory_space<vmem>>, vector<16xi32>,
        %shift_right_logical3A_1314 = arith.constant 1 : i32
        %shift_right_logical3A_1315 = vector.broadcast %shift_right_logical3A_1314 : i32 to vector<16xi32>
        %shift_right_logical3A_1316 = arith.shrui %get3A_1313, %shift_right_logical3A_1315 : vector<16xi32>
        %swap3A_1317 = arith.constant 0 : index
        %swap3A_1318 = tpu.vector_load %arg8[%swap3A_1317] {strides = array<i32>} : memref<128xi32, #tpu.memory_space<vmem>>, vector<16xi32>,
        tpu.vector_store %arg8[%swap3A_1317], %shift_right_logical3A_1316 {strides = array<i32>} : memref<128xi32, #tpu.memory_space<vmem>>, vector<16xi32>,
        %get3A_1319 = arith.index_cast %add3A_1310 : i32 to index
        %get3A_1320 = arith.constant 16 : index
        %get3A_1321 = tpu.vector_load %arg6[%get3A_1319, %get3A_1320] {strides = array<i32>} : memref<200x128xi32, #tpu.memory_space<vmem>>, vector<16xi32>,
        %shift_right_logical3A_1322 = arith.constant 1 : i32
        %shift_right_logical3A_1323 = vector.broadcast %shift_right_logical3A_1322 : i32 to vector<16xi32>
        %shift_right_logical3A_1324 = arith.shrui %get3A_1321, %shift_right_logical3A_1323 : vector<16xi32>
        %swap3A_1325 = arith.constant 16 : index
        %swap3A_1326 = tpu.vector_load %arg8[%swap3A_1325] {strides = array<i32>} : memref<128xi32, #tpu.memory_space<vmem>>, vector<16xi32>,
        tpu.vector_store %arg8[%swap3A_1325], %shift_right_logical3A_1324 {strides = array<i32>} : memref<128xi32, #tpu.memory_space<vmem>>, vector<16xi32>,
        %get3A_1327 = arith.index_cast %add3A_1310 : i32 to index
        %get3A_1328 = arith.constant 32 : index
        %get3A_1329 = tpu.vector_load %arg6[%get3A_1327, %get3A_1328] {strides = array<i32>} : memref<200x128xi32, #tpu.memory_space<vmem>>, vector<16xi32>,
        %shift_right_logical3A_1330 = arith.constant 1 : i32
        %shift_right_logical3A_1331 = vector.broadcast %shift_right_logical3A_1330 : i32 to vector<16xi32>
        %shift_right_logical3A_1332 = arith.shrui %get3A_1329, %shift_right_logical3A_1331 : vector<16xi32>
        %swap3A_1333 = arith.constant 32 : index
        %swap3A_1334 = tpu.vector_load %arg8[%swap3A_1333] {strides = array<i32>} : memref<128xi32, #tpu.memory_space<vmem>>, vector<16xi32>,
        tpu.vector_store %arg8[%swap3A_1333], %shift_right_logical3A_1332 {strides = array<i32>} : memref<128xi32, #tpu.memory_space<vmem>>, vector<16xi32>,
        %get3A_1335 = arith.index_cast %add3A_1310 : i32 to index
        %get3A_1336 = arith.constant 48 : index
        %get3A_1337 = tpu.vector_load %arg6[%get3A_1335, %get3A_1336] {strides = array<i32>} : memref<200x128xi32, #tpu.memory_space<vmem>>, vector<16xi32>,
        %shift_right_logical3A_1338 = arith.constant 1 : i32
        %shift_right_logical3A_1339 = vector.broadcast %shift_right_logical3A_1338 : i32 to vector<16xi32>
        %shift_right_logical3A_1340 = arith.shrui %get3A_1337, %shift_right_logical3A_1339 : vector<16xi32>
        %swap3A_1341 = arith.constant 48 : index
        %swap3A_1342 = tpu.vector_load %arg8[%swap3A_1341] {strides = array<i32>} : memref<128xi32, #tpu.memory_space<vmem>>, vector<16xi32>,
        tpu.vector_store %arg8[%swap3A_1341], %shift_right_logical3A_1340 {strides = array<i32>} : memref<128xi32, #tpu.memory_space<vmem>>, vector<16xi32>,
        %get3A_1343 = arith.index_cast %add3A_1310 : i32 to index
        %get3A_1344 = arith.constant 64 : index
        %get3A_1345 = tpu.vector_load %arg6[%get3A_1343, %get3A_1344] {strides = array<i32>} : memref<200x128xi32, #tpu.memory_space<vmem>>, vector<16xi32>,
        %shift_right_logical3A_1346 = arith.constant 1 : i32
        %shift_right_logical3A_1347 = vector.broadcast %shift_right_logical3A_1346 : i32 to vector<16xi32>
        %shift_right_logical3A_1348 = arith.shrui %get3A_1345, %shift_right_logical3A_1347 : vector<16xi32>
        %swap3A_1349 = arith.constant 64 : index
        %swap3A_1350 = tpu.vector_load %arg8[%swap3A_1349] {strides = array<i32>} : memref<128xi32, #tpu.memory_space<vmem>>, vector<16xi32>,
        tpu.vector_store %arg8[%swap3A_1349], %shift_right_logical3A_1348 {strides = array<i32>} : memref<128xi32, #tpu.memory_space<vmem>>, vector<16xi32>,
        %get3A_1351 = arith.index_cast %add3A_1310 : i32 to index
        %get3A_1352 = arith.constant 80 : index
        %get3A_1353 = tpu.vector_load %arg6[%get3A_1351, %get3A_1352] {strides = array<i32>} : memref<200x128xi32, #tpu.memory_space<vmem>>, vector<16xi32>,
        %shift_right_logical3A_1354 = arith.constant 1 : i32
        %shift_right_logical3A_1355 = vector.broadcast %shift_right_logical3A_1354 : i32 to vector<16xi32>
        %shift_right_logical3A_1356 = arith.shrui %get3A_1353, %shift_right_logical3A_1355 : vector<16xi32>
        %swap3A_1357 = arith.constant 80 : index
        %swap3A_1358 = tpu.vector_load %arg8[%swap3A_1357] {strides = array<i32>} : memref<128xi32, #tpu.memory_space<vmem>>, vector<16xi32>,
        tpu.vector_store %arg8[%swap3A_1357], %shift_right_logical3A_1356 {strides = array<i32>} : memref<128xi32, #tpu.memory_space<vmem>>, vector<16xi32>,
        %get3A_1359 = arith.index_cast %add3A_1310 : i32 to index
        %get3A_1360 = arith.constant 96 : index
        %get3A_1361 = tpu.vector_load %arg6[%get3A_1359, %get3A_1360] {strides = array<i32>} : memref<200x128xi32, #tpu.memory_space<vmem>>, vector<16xi32>,
        %shift_right_logical3A_1362 = arith.constant 1 : i32
        %shift_right_logical3A_1363 = vector.broadcast %shift_right_logical3A_1362 : i32 to vector<16xi32>
        %shift_right_logical3A_1364 = arith.shrui %get3A_1361, %shift_right_logical3A_1363 : vector<16xi32>
        %swap3A_1365 = arith.constant 96 : index
        %swap3A_1366 = tpu.vector_load %arg8[%swap3A_1365] {strides = array<i32>} : memref<128xi32, #tpu.memory_space<vmem>>, vector<16xi32>,
        tpu.vector_store %arg8[%swap3A_1365], %shift_right_logical3A_1364 {strides = array<i32>} : memref<128xi32, #tpu.memory_space<vmem>>, vector<16xi32>,
        %get3A_1367 = arith.index_cast %add3A_1310 : i32 to index
        %get3A_1368 = arith.constant 112 : index
        %get3A_1369 = tpu.vector_load %arg6[%get3A_1367, %get3A_1368] {strides = array<i32>} : memref<200x128xi32, #tpu.memory_space<vmem>>, vector<16xi32>,
        %shift_right_logical3A_1370 = arith.constant 1 : i32
        %shift_right_logical3A_1371 = vector.broadcast %shift_right_logical3A_1370 : i32 to vector<16xi32>
        %shift_right_logical3A_1372 = arith.shrui %get3A_1369, %shift_right_logical3A_1371 : vector<16xi32>
        %swap3A_1373 = arith.constant 112 : index
        %swap3A_1374 = tpu.vector_load %arg8[%swap3A_1373] {strides = array<i32>} : memref<128xi32, #tpu.memory_space<vmem>>, vector<16xi32>,
        tpu.vector_store %arg8[%swap3A_1373], %shift_right_logical3A_1372 {strides = array<i32>} : memref<128xi32, #tpu.memory_space<vmem>>, vector<16xi32>,
        %dma_start3A_1375 = arith.constant 0 : i32
        %dma_start3A_1376 = arith.constant 0 : i32
        %dma_start3A_1377 = tpu.memref_slice %arg11[%sub3A_1309, %dma_start3A_1375, %dma_start3A_1376] : memref<2x128x128xf32, #tpu.memory_space<vmem>> -> memref<1x128x128xf32, #tpu.memory_space<vmem>>
        %dma_start3A_1378 = tpu.memref_squeeze %dma_start3A_1377 : memref<1x128x128xf32, #tpu.memory_space<vmem>> -> memref<128x128xf32, #tpu.memory_space<vmem>>
        %dma_start3A_1379 = arith.constant 0 : i32
        %dma_start3A_1380 = arith.constant 0 : i32
        %dma_start3A_1381 = tpu.memref_slice %arg2[%dma_start3A_1379, %dma_start3A_1380] : memref<500000x128xf32, #tpu.memory_space<hbm>> -> memref<500000x128xf32, #tpu.memory_space<hbm>>
        %dma_start3A_1382 = tpu.memref_slice %arg13[%sub3A_1309] : memref<2x!tpu.dma_semaphore, #tpu.memory_space<semaphore_mem>> -> memref<1x!tpu.dma_semaphore, #tpu.memory_space<semaphore_mem>>
        %dma_start3A_1383 = tpu.memref_squeeze %dma_start3A_1382 : memref<1x!tpu.dma_semaphore, #tpu.memory_space<semaphore_mem>> -> memref<!tpu.dma_semaphore, #tpu.memory_space<semaphore_mem>>
        tpu.enqueue_indirect_dma source(%dma_start3A_1381 : memref<500000x128xf32, #tpu.memory_space<hbm>>) target(%dma_start3A_1378 : memref<128x128xf32, #tpu.memory_space<vmem>>) offsets(%arg8 : memref<128xi32, #tpu.memory_space<vmem>>) semaphore(%dma_start3A_1383 : memref<!tpu.dma_semaphore, #tpu.memory_space<semaphore_mem>>)
      } else {
      }
      %ge3A = arith.constant 2 : i32
      %ge3A_1284 = arith.cmpi sge, %scan3A_160, %ge3A : i32
      %convert_element_type3A_1285 = arith.extui %ge3A_1284 : i1 to i32
      %cond3A_1286 = arith.constant 0 : i32
      %cond3A_1287 = arith.cmpi ne, %convert_element_type3A_1285, %cond3A_1286 : i32
      scf.if %cond3A_1287 {
        %dma_wait3A_1306 = arith.constant 0 : i32
        %dma_wait3A_1307 = arith.constant 0 : i32
        %dma_wait3A_1308 = tpu.memref_slice %arg12[%rem3A_162, %dma_wait3A_1306, %dma_wait3A_1307] : memref<2x64x128xf32, #tpu.memory_space<vmem>> -> memref<1x64x128xf32, #tpu.memory_space<vmem>>
        %dma_wait3A_1309 = tpu.memref_squeeze %dma_wait3A_1308 : memref<1x64x128xf32, #tpu.memory_space<vmem>> -> memref<64x128xf32, #tpu.memory_space<vmem>>
        %dma_wait3A_1310 = arith.constant 0 : i32
        %dma_wait3A_1311 = tpu.memref_slice %arg5[%add3A_163, %dma_wait3A_1310, %multiple_of3A] : memref<200x64x1024xf32, #tpu.memory_space<hbm>> -> memref<1x64x128xf32, #tpu.memory_space<hbm>>
        %dma_wait3A_1312 = tpu.memref_squeeze %dma_wait3A_1311 : memref<1x64x128xf32, #tpu.memory_space<hbm>> -> memref<64x128xf32, #tpu.memory_space<hbm>>
        %dma_wait3A_1313 = tpu.memref_slice %arg14[%rem3A_162] : memref<2x!tpu.dma_semaphore, #tpu.memory_space<semaphore_mem>> -> memref<1x!tpu.dma_semaphore, #tpu.memory_space<semaphore_mem>>
        %dma_wait3A_1314 = tpu.memref_squeeze %dma_wait3A_1313 : memref<1x!tpu.dma_semaphore, #tpu.memory_space<semaphore_mem>> -> memref<!tpu.dma_semaphore, #tpu.memory_space<semaphore_mem>>
        %dma_wait3A_1315 = arith.constant 0 : i32
        %dma_wait3A_1316 = tpu.memref_slice %arg5[%add3A_163, %dma_wait3A_1315, %multiple_of3A] : memref<200x64x1024xf32, #tpu.memory_space<hbm>> -> memref<1x64x128xf32, #tpu.memory_space<hbm>>
        %dma_wait3A_1317 = tpu.memref_squeeze %dma_wait3A_1316 : memref<1x64x128xf32, #tpu.memory_space<hbm>> -> memref<64x128xf32, #tpu.memory_space<hbm>>
        %dma_wait3A_1318 = arith.constant 0 : i32
        %dma_wait3A_1319 = arith.constant 0 : i32
        %dma_wait3A_1320 = tpu.memref_slice %arg12[%rem3A_162, %dma_wait3A_1318, %dma_wait3A_1319] : memref<2x64x128xf32, #tpu.memory_space<vmem>> -> memref<1x64x128xf32, #tpu.memory_space<vmem>>
        %dma_wait3A_1321 = tpu.memref_squeeze %dma_wait3A_1320 : memref<1x64x128xf32, #tpu.memory_space<vmem>> -> memref<64x128xf32, #tpu.memory_space<vmem>>
        tpu.wait_dma2 semaphore(%dma_wait3A_1314 : memref<!tpu.dma_semaphore, #tpu.memory_space<semaphore_mem>>) src(%dma_wait3A_1321 : memref<64x128xf32, #tpu.memory_space<vmem>>) dst(%dma_wait3A_1317 : memref<64x128xf32, #tpu.memory_space<hbm>>)
      } else {
      }
      %parallel_loop3A = arith.constant 0 : i32
      %parallel_loop3A_1288 = arith.constant 64 : i32
      %parallel_loop3A_1289 = arith.constant 1 : i32
      scf.for %parallel_loop3A_1306 = %parallel_loop3A to %parallel_loop3A_1288 step %parallel_loop3A_1289  : i32 {
        %parallel_loop3A_1307 = arith.index_cast %parallel_loop3A_1306 : i32 to index
        %parallel_loop3A_1308 = arith.constant 0 : index
        %parallel_loop3A_1309 = tpu.vector_load %arg10[%parallel_loop3A_1307, %parallel_loop3A_1308] {strides = array<i32>} : memref<64x128xf32, #tpu.memory_space<vmem>>, vector<16xf32>,
        %parallel_loop3A_1310 = arith.constant 0 : i32
        %parallel_loop3A_1311 = vector.broadcast %parallel_loop3A_1310 : i32 to vector<16xi32>
        %parallel_loop3A_1312 = arith.addi %iota3A, %parallel_loop3A_1311 : vector<16xi32>
        %parallel_loop3A_1313 = vector.broadcast %parallel_loop3A_1306 : i32 to vector<16xi32>
        %parallel_loop3A_1314 = arith.addi %mul3A_181, %parallel_loop3A_1313 : vector<16xi32>
        %parallel_loop3A_1315 = arith.constant 0 : i32
        %parallel_loop3A_1316 = arith.constant 0 : i32
        %parallel_loop3A_1317 = tpu.memref_slice %arg11[%rem3A_162, %parallel_loop3A_1315, %parallel_loop3A_1316] : memref<2x128x128xf32, #tpu.memory_space<vmem>> -> memref<1x128x128xf32, #tpu.memory_space<vmem>>
        %parallel_loop3A_1318 = tpu.memref_squeeze %parallel_loop3A_1317 : memref<1x128x128xf32, #tpu.memory_space<vmem>> -> memref<128x128xf32, #tpu.memory_space<vmem>>
        %parallel_loop3A_1319 = tpu.vector_load_idx %parallel_loop3A_1318[%parallel_loop3A_1312, %parallel_loop3A_1314] : memref<128x128xf32, #tpu.memory_space<vmem>>[vector<16xi32>, vector<16xi32>], vector<16xf32>,
        %parallel_loop3A_1320 = arith.addf %parallel_loop3A_1319, %parallel_loop3A_1309 : vector<16xf32>
        %parallel_loop3A_1321 = arith.index_cast %rem3A_162 : i32 to index
        %parallel_loop3A_1322 = arith.index_cast %parallel_loop3A_1306 : i32 to index
        %parallel_loop3A_1323 = arith.constant 0 : index
        %parallel_loop3A_1324 = tpu.vector_load %arg12[%parallel_loop3A_1321, %parallel_loop3A_1322, %parallel_loop3A_1323] {strides = array<i32>} : memref<2x64x128xf32, #tpu.memory_space<vmem>>, vector<16xf32>,
        tpu.vector_store %arg12[%parallel_loop3A_1321, %parallel_loop3A_1322, %parallel_loop3A_1323], %parallel_loop3A_1320 {strides = array<i32>} : memref<2x64x128xf32, #tpu.memory_space<vmem>>, vector<16xf32>,
        %parallel_loop3A_1325 = arith.constant 16 : i32
        %parallel_loop3A_1326 = vector.broadcast %parallel_loop3A_1325 : i32 to vector<16xi32>
        %parallel_loop3A_1327 = arith.addi %iota3A, %parallel_loop3A_1326 : vector<16xi32>
        %parallel_loop3A_1328 = vector.broadcast %parallel_loop3A_1306 : i32 to vector<16xi32>
        %parallel_loop3A_1329 = arith.addi %mul3A_190, %parallel_loop3A_1328 : vector<16xi32>
        %parallel_loop3A_1330 = arith.constant 0 : i32
        %parallel_loop3A_1331 = arith.constant 0 : i32
        %parallel_loop3A_1332 = tpu.memref_slice %arg11[%rem3A_162, %parallel_loop3A_1330, %parallel_loop3A_1331] : memref<2x128x128xf32, #tpu.memory_space<vmem>> -> memref<1x128x128xf32, #tpu.memory_space<vmem>>
        %parallel_loop3A_1333 = tpu.memref_squeeze %parallel_loop3A_1332 : memref<1x128x128xf32, #tpu.memory_space<vmem>> -> memref<128x128xf32, #tpu.memory_space<vmem>>
        %parallel_loop3A_1334 = tpu.vector_load_idx %parallel_loop3A_1333[%parallel_loop3A_1327, %parallel_loop3A_1329] : memref<128x128xf32, #tpu.memory_space<vmem>>[vector<16xi32>, vector<16xi32>], vector<16xf32>,
        %parallel_loop3A_1335 = arith.addf %parallel_loop3A_1334, %parallel_loop3A_1309 : vector<16xf32>
        %parallel_loop3A_1336 = arith.index_cast %rem3A_162 : i32 to index
        %parallel_loop3A_1337 = arith.index_cast %parallel_loop3A_1306 : i32 to index
        %parallel_loop3A_1338 = arith.constant 16 : index
        %parallel_loop3A_1339 = tpu.vector_load %arg12[%parallel_loop3A_1336, %parallel_loop3A_1337, %parallel_loop3A_1338] {strides = array<i32>} : memref<2x64x128xf32, #tpu.memory_space<vmem>>, vector<16xf32>,
        tpu.vector_store %arg12[%parallel_loop3A_1336, %parallel_loop3A_1337, %parallel_loop3A_1338], %parallel_loop3A_1335 {strides = array<i32>} : memref<2x64x128xf32, #tpu.memory_space<vmem>>, vector<16xf32>,
        %parallel_loop3A_1340 = arith.constant 32 : i32
        %parallel_loop3A_1341 = vector.broadcast %parallel_loop3A_1340 : i32 to vector<16xi32>
        %parallel_loop3A_1342 = arith.addi %iota3A, %parallel_loop3A_1341 : vector<16xi32>
        %parallel_loop3A_1343 = vector.broadcast %parallel_loop3A_1306 : i32 to vector<16xi32>
        %parallel_loop3A_1344 = arith.addi %mul3A_199, %parallel_loop3A_1343 : vector<16xi32>
        %parallel_loop3A_1345 = arith.constant 0 : i32
        %parallel_loop3A_1346 = arith.constant 0 : i32
        %parallel_loop3A_1347 = tpu.memref_slice %arg11[%rem3A_162, %parallel_loop3A_1345, %parallel_loop3A_1346] : memref<2x128x128xf32, #tpu.memory_space<vmem>> -> memref<1x128x128xf32, #tpu.memory_space<vmem>>
        %parallel_loop3A_1348 = tpu.memref_squeeze %parallel_loop3A_1347 : memref<1x128x128xf32, #tpu.memory_space<vmem>> -> memref<128x128xf32, #tpu.memory_space<vmem>>
        %parallel_loop3A_1349 = tpu.vector_load_idx %parallel_loop3A_1348[%parallel_loop3A_1342, %parallel_loop3A_1344] : memref<128x128xf32, #tpu.memory_space<vmem>>[vector<16xi32>, vector<16xi32>], vector<16xf32>,
        %parallel_loop3A_1350 = arith.addf %parallel_loop3A_1349, %parallel_loop3A_1309 : vector<16xf32>
        %parallel_loop3A_1351 = arith.index_cast %rem3A_162 : i32 to index
        %parallel_loop3A_1352 = arith.index_cast %parallel_loop3A_1306 : i32 to index
        %parallel_loop3A_1353 = arith.constant 32 : index
        %parallel_loop3A_1354 = tpu.vector_load %arg12[%parallel_loop3A_1351, %parallel_loop3A_1352, %parallel_loop3A_1353] {strides = array<i32>} : memref<2x64x128xf32, #tpu.memory_space<vmem>>, vector<16xf32>,
        tpu.vector_store %arg12[%parallel_loop3A_1351, %parallel_loop3A_1352, %parallel_loop3A_1353], %parallel_loop3A_1350 {strides = array<i32>} : memref<2x64x128xf32, #tpu.memory_space<vmem>>, vector<16xf32>,
        %parallel_loop3A_1355 = arith.constant 48 : i32
        %parallel_loop3A_1356 = vector.broadcast %parallel_loop3A_1355 : i32 to vector<16xi32>
        %parallel_loop3A_1357 = arith.addi %iota3A, %parallel_loop3A_1356 : vector<16xi32>
        %parallel_loop3A_1358 = vector.broadcast %parallel_loop3A_1306 : i32 to vector<16xi32>
        %parallel_loop3A_1359 = arith.addi %mul3A_208, %parallel_loop3A_1358 : vector<16xi32>
        %parallel_loop3A_1360 = arith.constant 0 : i32
        %parallel_loop3A_1361 = arith.constant 0 : i32
        %parallel_loop3A_1362 = tpu.memref_slice %arg11[%rem3A_162, %parallel_loop3A_1360, %parallel_loop3A_1361] : memref<2x128x128xf32, #tpu.memory_space<vmem>> -> memref<1x128x128xf32, #tpu.memory_space<vmem>>
        %parallel_loop3A_1363 = tpu.memref_squeeze %parallel_loop3A_1362 : memref<1x128x128xf32, #tpu.memory_space<vmem>> -> memref<128x128xf32, #tpu.memory_space<vmem>>
        %parallel_loop3A_1364 = tpu.vector_load_idx %parallel_loop3A_1363[%parallel_loop3A_1357, %parallel_loop3A_1359] : memref<128x128xf32, #tpu.memory_space<vmem>>[vector<16xi32>, vector<16xi32>], vector<16xf32>,
        %parallel_loop3A_1365 = arith.addf %parallel_loop3A_1364, %parallel_loop3A_1309 : vector<16xf32>
        %parallel_loop3A_1366 = arith.index_cast %rem3A_162 : i32 to index
        %parallel_loop3A_1367 = arith.index_cast %parallel_loop3A_1306 : i32 to index
        %parallel_loop3A_1368 = arith.constant 48 : index
        %parallel_loop3A_1369 = tpu.vector_load %arg12[%parallel_loop3A_1366, %parallel_loop3A_1367, %parallel_loop3A_1368] {strides = array<i32>} : memref<2x64x128xf32, #tpu.memory_space<vmem>>, vector<16xf32>,
        tpu.vector_store %arg12[%parallel_loop3A_1366, %parallel_loop3A_1367, %parallel_loop3A_1368], %parallel_loop3A_1365 {strides = array<i32>} : memref<2x64x128xf32, #tpu.memory_space<vmem>>, vector<16xf32>,
        %parallel_loop3A_1370 = arith.constant 64 : i32
        %parallel_loop3A_1371 = vector.broadcast %parallel_loop3A_1370 : i32 to vector<16xi32>
        %parallel_loop3A_1372 = arith.addi %iota3A, %parallel_loop3A_1371 : vector<16xi32>
        %parallel_loop3A_1373 = vector.broadcast %parallel_loop3A_1306 : i32 to vector<16xi32>
        %parallel_loop3A_1374 = arith.addi %mul3A_217, %parallel_loop3A_1373 : vector<16xi32>
        %parallel_loop3A_1375 = arith.constant 0 : i32
        %parallel_loop3A_1376 = arith.constant 0 : i32
        %parallel_loop3A_1377 = tpu.memref_slice %arg11[%rem3A_162, %parallel_loop3A_1375, %parallel_loop3A_1376] : memref<2x128x128xf32, #tpu.memory_space<vmem>> -> memref<1x128x128xf32, #tpu.memory_space<vmem>>
        %parallel_loop3A_1378 = tpu.memref_squeeze %parallel_loop3A_1377 : memref<1x128x128xf32, #tpu.memory_space<vmem>> -> memref<128x128xf32, #tpu.memory_space<vmem>>
        %parallel_loop3A_1379 = tpu.vector_load_idx %parallel_loop3A_1378[%parallel_loop3A_1372, %parallel_loop3A_1374] : memref<128x128xf32, #tpu.memory_space<vmem>>[vector<16xi32>, vector<16xi32>], vector<16xf32>,
        %parallel_loop3A_1380 = arith.addf %parallel_loop3A_1379, %parallel_loop3A_1309 : vector<16xf32>
        %parallel_loop3A_1381 = arith.index_cast %rem3A_162 : i32 to index
        %parallel_loop3A_1382 = arith.index_cast %parallel_loop3A_1306 : i32 to index
        %parallel_loop3A_1383 = arith.constant 64 : index
        %parallel_loop3A_1384 = tpu.vector_load %arg12[%parallel_loop3A_1381, %parallel_loop3A_1382, %parallel_loop3A_1383] {strides = array<i32>} : memref<2x64x128xf32, #tpu.memory_space<vmem>>, vector<16xf32>,
        tpu.vector_store %arg12[%parallel_loop3A_1381, %parallel_loop3A_1382, %parallel_loop3A_1383], %parallel_loop3A_1380 {strides = array<i32>} : memref<2x64x128xf32, #tpu.memory_space<vmem>>, vector<16xf32>,
        %parallel_loop3A_1385 = arith.constant 80 : i32
        %parallel_loop3A_1386 = vector.broadcast %parallel_loop3A_1385 : i32 to vector<16xi32>
        %parallel_loop3A_1387 = arith.addi %iota3A, %parallel_loop3A_1386 : vector<16xi32>
        %parallel_loop3A_1388 = vector.broadcast %parallel_loop3A_1306 : i32 to vector<16xi32>
        %parallel_loop3A_1389 = arith.addi %mul3A_226, %parallel_loop3A_1388 : vector<16xi32>
        %parallel_loop3A_1390 = arith.constant 0 : i32
        %parallel_loop3A_1391 = arith.constant 0 : i32
        %parallel_loop3A_1392 = tpu.memref_slice %arg11[%rem3A_162, %parallel_loop3A_1390, %parallel_loop3A_1391] : memref<2x128x128xf32, #tpu.memory_space<vmem>> -> memref<1x128x128xf32, #tpu.memory_space<vmem>>
        %parallel_loop3A_1393 = tpu.memref_squeeze %parallel_loop3A_1392 : memref<1x128x128xf32, #tpu.memory_space<vmem>> -> memref<128x128xf32, #tpu.memory_space<vmem>>
        %parallel_loop3A_1394 = tpu.vector_load_idx %parallel_loop3A_1393[%parallel_loop3A_1387, %parallel_loop3A_1389] : memref<128x128xf32, #tpu.memory_space<vmem>>[vector<16xi32>, vector<16xi32>], vector<16xf32>,
        %parallel_loop3A_1395 = arith.addf %parallel_loop3A_1394, %parallel_loop3A_1309 : vector<16xf32>
        %parallel_loop3A_1396 = arith.index_cast %rem3A_162 : i32 to index
        %parallel_loop3A_1397 = arith.index_cast %parallel_loop3A_1306 : i32 to index
        %parallel_loop3A_1398 = arith.constant 80 : index
        %parallel_loop3A_1399 = tpu.vector_load %arg12[%parallel_loop3A_1396, %parallel_loop3A_1397, %parallel_loop3A_1398] {strides = array<i32>} : memref<2x64x128xf32, #tpu.memory_space<vmem>>, vector<16xf32>,
        tpu.vector_store %arg12[%parallel_loop3A_1396, %parallel_loop3A_1397, %parallel_loop3A_1398], %parallel_loop3A_1395 {strides = array<i32>} : memref<2x64x128xf32, #tpu.memory_space<vmem>>, vector<16xf32>,
        %parallel_loop3A_1400 = arith.constant 96 : i32
        %parallel_loop3A_1401 = vector.broadcast %parallel_loop3A_1400 : i32 to vector<16xi32>
        %parallel_loop3A_1402 = arith.addi %iota3A, %parallel_loop3A_1401 : vector<16xi32>
        %parallel_loop3A_1403 = vector.broadcast %parallel_loop3A_1306 : i32 to vector<16xi32>
        %parallel_loop3A_1404 = arith.addi %mul3A_235, %parallel_loop3A_1403 : vector<16xi32>
        %parallel_loop3A_1405 = arith.constant 0 : i32
        %parallel_loop3A_1406 = arith.constant 0 : i32
        %parallel_loop3A_1407 = tpu.memref_slice %arg11[%rem3A_162, %parallel_loop3A_1405, %parallel_loop3A_1406] : memref<2x128x128xf32, #tpu.memory_space<vmem>> -> memref<1x128x128xf32, #tpu.memory_space<vmem>>
        %parallel_loop3A_1408 = tpu.memref_squeeze %parallel_loop3A_1407 : memref<1x128x128xf32, #tpu.memory_space<vmem>> -> memref<128x128xf32, #tpu.memory_space<vmem>>
        %parallel_loop3A_1409 = tpu.vector_load_idx %parallel_loop3A_1408[%parallel_loop3A_1402, %parallel_loop3A_1404] : memref<128x128xf32, #tpu.memory_space<vmem>>[vector<16xi32>, vector<16xi32>], vector<16xf32>,
        %parallel_loop3A_1410 = arith.addf %parallel_loop3A_1409, %parallel_loop3A_1309 : vector<16xf32>
        %parallel_loop3A_1411 = arith.index_cast %rem3A_162 : i32 to index
        %parallel_loop3A_1412 = arith.index_cast %parallel_loop3A_1306 : i32 to index
        %parallel_loop3A_1413 = arith.constant 96 : index
        %parallel_loop3A_1414 = tpu.vector_load %arg12[%parallel_loop3A_1411, %parallel_loop3A_1412, %parallel_loop3A_1413] {strides = array<i32>} : memref<2x64x128xf32, #tpu.memory_space<vmem>>, vector<16xf32>,
        tpu.vector_store %arg12[%parallel_loop3A_1411, %parallel_loop3A_1412, %parallel_loop3A_1413], %parallel_loop3A_1410 {strides = array<i32>} : memref<2x64x128xf32, #tpu.memory_space<vmem>>, vector<16xf32>,
        %parallel_loop3A_1415 = arith.constant 112 : i32
        %parallel_loop3A_1416 = vector.broadcast %parallel_loop3A_1415 : i32 to vector<16xi32>
        %parallel_loop3A_1417 = arith.addi %iota3A, %parallel_loop3A_1416 : vector<16xi32>
        %parallel_loop3A_1418 = vector.broadcast %parallel_loop3A_1306 : i32 to vector<16xi32>
        %parallel_loop3A_1419 = arith.addi %mul3A_244, %parallel_loop3A_1418 : vector<16xi32>
        %parallel_loop3A_1420 = arith.constant 0 : i32
        %parallel_loop3A_1421 = arith.constant 0 : i32
        %parallel_loop3A_1422 = tpu.memref_slice %arg11[%rem3A_162, %parallel_loop3A_1420, %parallel_loop3A_1421] : memref<2x128x128xf32, #tpu.memory_space<vmem>> -> memref<1x128x128xf32, #tpu.memory_space<vmem>>
        %parallel_loop3A_1423 = tpu.memref_squeeze %parallel_loop3A_1422 : memref<1x128x128xf32, #tpu.memory_space<vmem>> -> memref<128x128xf32, #tpu.memory_space<vmem>>
        %parallel_loop3A_1424 = tpu.vector_load_idx %parallel_loop3A_1423[%parallel_loop3A_1417, %parallel_loop3A_1419] : memref<128x128xf32, #tpu.memory_space<vmem>>[vector<16xi32>, vector<16xi32>], vector<16xf32>,
        %parallel_loop3A_1425 = arith.addf %parallel_loop3A_1424, %parallel_loop3A_1309 : vector<16xf32>
        %parallel_loop3A_1426 = arith.index_cast %rem3A_162 : i32 to index
        %parallel_loop3A_1427 = arith.index_cast %parallel_loop3A_1306 : i32 to index
        %parallel_loop3A_1428 = arith.constant 112 : index
        %parallel_loop3A_1429 = tpu.vector_load %arg12[%parallel_loop3A_1426, %parallel_loop3A_1427, %parallel_loop3A_1428] {strides = array<i32>} : memref<2x64x128xf32, #tpu.memory_space<vmem>>, vector<16xf32>,
        tpu.vector_store %arg12[%parallel_loop3A_1426, %parallel_loop3A_1427, %parallel_loop3A_1428], %parallel_loop3A_1425 {strides = array<i32>} : memref<2x64x128xf32, #tpu.memory_space<vmem>>, vector<16xf32>,
      } {sc.loop_unroll_factor = 4 : i64, sc.parallel_access}
      %dma_start3A_1290 = arith.constant 0 : i32
      %dma_start3A_1291 = arith.constant 0 : i32
      %dma_start3A_1292 = tpu.memref_slice %arg12[%rem3A_162, %dma_start3A_1290, %dma_start3A_1291] : memref<2x64x128xf32, #tpu.memory_space<vmem>> -> memref<1x64x128xf32, #tpu.memory_space<vmem>>
      %dma_start3A_1293 = tpu.memref_squeeze %dma_start3A_1292 : memref<1x64x128xf32, #tpu.memory_space<vmem>> -> memref<64x128xf32, #tpu.memory_space<vmem>>
      %dma_start3A_1294 = arith.constant 0 : i32
      %dma_start3A_1295 = tpu.memref_slice %arg5[%add3A_163, %dma_start3A_1294, %multiple_of3A] : memref<200x64x1024xf32, #tpu.memory_space<hbm>> -> memref<1x64x128xf32, #tpu.memory_space<hbm>>
      %dma_start3A_1296 = tpu.memref_squeeze %dma_start3A_1295 : memref<1x64x128xf32, #tpu.memory_space<hbm>> -> memref<64x128xf32, #tpu.memory_space<hbm>>
      %dma_start3A_1297 = tpu.memref_slice %arg14[%rem3A_162] : memref<2x!tpu.dma_semaphore, #tpu.memory_space<semaphore_mem>> -> memref<1x!tpu.dma_semaphore, #tpu.memory_space<semaphore_mem>>
      %dma_start3A_1298 = tpu.memref_squeeze %dma_start3A_1297 : memref<1x!tpu.dma_semaphore, #tpu.memory_space<semaphore_mem>> -> memref<!tpu.dma_semaphore, #tpu.memory_space<semaphore_mem>>
      %dma_start3A_1299 = arith.constant 0 : i32
      %dma_start3A_1300 = tpu.memref_slice %arg5[%add3A_163, %dma_start3A_1299, %multiple_of3A] : memref<200x64x1024xf32, #tpu.memory_space<hbm>> -> memref<1x64x128xf32, #tpu.memory_space<hbm>>
      %dma_start3A_1301 = tpu.memref_squeeze %dma_start3A_1300 : memref<1x64x128xf32, #tpu.memory_space<hbm>> -> memref<64x128xf32, #tpu.memory_space<hbm>>
      %dma_start3A_1302 = arith.constant 0 : i32
      %dma_start3A_1303 = arith.constant 0 : i32
      %dma_start3A_1304 = tpu.memref_slice %arg12[%rem3A_162, %dma_start3A_1302, %dma_start3A_1303] : memref<2x64x128xf32, #tpu.memory_space<vmem>> -> memref<1x64x128xf32, #tpu.memory_space<vmem>>
      %dma_start3A_1305 = tpu.memref_squeeze %dma_start3A_1304 : memref<1x64x128xf32, #tpu.memory_space<vmem>> -> memref<64x128xf32, #tpu.memory_space<vmem>>
      tpu.enqueue_dma source(%dma_start3A_1305 : memref<64x128xf32, #tpu.memory_space<vmem>>) target(%dma_start3A_1301 : memref<64x128xf32, #tpu.memory_space<hbm>>) target_semaphore(%dma_start3A_1298 : memref<!tpu.dma_semaphore, #tpu.memory_space<semaphore_mem>>)
    }
    %scan3A_112 = arith.constant 50 : i32
    %add3A_113 = arith.constant 50 : i32
    %add3A_114 = arith.addi %mul3A_34, %add3A_113 : i32
    %sub3A_115 = arith.constant 1 : i32
    %sub3A_116 = arith.subi %add3A_114, %sub3A_115 : i32
    %rem3A_117 = arith.constant 50 : i32
    %rem3A_118 = arith.constant 2 : i32
    %rem3A_119 = arith.remsi %rem3A_117, %rem3A_118 : i32
    %rem3A_120 = arith.constant 50 : i32
    %rem3A_121 = arith.constant 2 : i32
    %rem3A_122 = arith.remsi %rem3A_120, %rem3A_121 : i32
    %dma_wait3A = arith.constant 0 : i32
    %dma_wait3A_123 = arith.constant 0 : i32
    %dma_wait3A_124 = tpu.memref_slice %arg12[%rem3A_119, %dma_wait3A, %dma_wait3A_123] : memref<2x64x128xf32, #tpu.memory_space<vmem>> -> memref<1x64x128xf32, #tpu.memory_space<vmem>>
    %dma_wait3A_125 = tpu.memref_squeeze %dma_wait3A_124 : memref<1x64x128xf32, #tpu.memory_space<vmem>> -> memref<64x128xf32, #tpu.memory_space<vmem>>
    %dma_wait3A_126 = arith.constant 0 : i32
    %dma_wait3A_127 = tpu.memref_slice %arg5[%sub3A_116, %dma_wait3A_126, %multiple_of3A] : memref<200x64x1024xf32, #tpu.memory_space<hbm>> -> memref<1x64x128xf32, #tpu.memory_space<hbm>>
    %dma_wait3A_128 = tpu.memref_squeeze %dma_wait3A_127 : memref<1x64x128xf32, #tpu.memory_space<hbm>> -> memref<64x128xf32, #tpu.memory_space<hbm>>
    %dma_wait3A_129 = tpu.memref_slice %arg14[%rem3A_122] : memref<2x!tpu.dma_semaphore, #tpu.memory_space<semaphore_mem>> -> memref<1x!tpu.dma_semaphore, #tpu.memory_space<semaphore_mem>>
    %dma_wait3A_130 = tpu.memref_squeeze %dma_wait3A_129 : memref<1x!tpu.dma_semaphore, #tpu.memory_space<semaphore_mem>> -> memref<!tpu.dma_semaphore, #tpu.memory_space<semaphore_mem>>
    %dma_wait3A_131 = arith.constant 0 : i32
    %dma_wait3A_132 = tpu.memref_slice %arg5[%sub3A_116, %dma_wait3A_131, %multiple_of3A] : memref<200x64x1024xf32, #tpu.memory_space<hbm>> -> memref<1x64x128xf32, #tpu.memory_space<hbm>>
    %dma_wait3A_133 = tpu.memref_squeeze %dma_wait3A_132 : memref<1x64x128xf32, #tpu.memory_space<hbm>> -> memref<64x128xf32, #tpu.memory_space<hbm>>
    %dma_wait3A_134 = arith.constant 0 : i32
    %dma_wait3A_135 = arith.constant 0 : i32
    %dma_wait3A_136 = tpu.memref_slice %arg12[%rem3A_119, %dma_wait3A_134, %dma_wait3A_135] : memref<2x64x128xf32, #tpu.memory_space<vmem>> -> memref<1x64x128xf32, #tpu.memory_space<vmem>>
    %dma_wait3A_137 = tpu.memref_squeeze %dma_wait3A_136 : memref<1x64x128xf32, #tpu.memory_space<vmem>> -> memref<64x128xf32, #tpu.memory_space<vmem>>
    tpu.wait_dma2 semaphore(%dma_wait3A_130 : memref<!tpu.dma_semaphore, #tpu.memory_space<semaphore_mem>>) src(%dma_wait3A_137 : memref<64x128xf32, #tpu.memory_space<vmem>>) dst(%dma_wait3A_133 : memref<64x128xf32, #tpu.memory_space<hbm>>)
    %rem3A_138 = arith.constant 51 : i32
    %rem3A_139 = arith.constant 2 : i32
    %rem3A_140 = arith.remsi %rem3A_138, %rem3A_139 : i32
    %rem3A_141 = arith.constant 51 : i32
    %rem3A_142 = arith.constant 2 : i32
    %rem3A_143 = arith.remsi %rem3A_141, %rem3A_142 : i32
    %dma_wait3A_144 = arith.constant 0 : i32
    %dma_wait3A_145 = arith.constant 0 : i32
    %dma_wait3A_146 = tpu.memref_slice %arg12[%rem3A_140, %dma_wait3A_144, %dma_wait3A_145] : memref<2x64x128xf32, #tpu.memory_space<vmem>> -> memref<1x64x128xf32, #tpu.memory_space<vmem>>
    %dma_wait3A_147 = tpu.memref_squeeze %dma_wait3A_146 : memref<1x64x128xf32, #tpu.memory_space<vmem>> -> memref<64x128xf32, #tpu.memory_space<vmem>>
    %dma_wait3A_148 = arith.constant 0 : i32
    %dma_wait3A_149 = tpu.memref_slice %arg5[%sub3A_116, %dma_wait3A_148, %multiple_of3A] : memref<200x64x1024xf32, #tpu.memory_space<hbm>> -> memref<1x64x128xf32, #tpu.memory_space<hbm>>
    %dma_wait3A_150 = tpu.memref_squeeze %dma_wait3A_149 : memref<1x64x128xf32, #tpu.memory_space<hbm>> -> memref<64x128xf32, #tpu.memory_space<hbm>>
    %dma_wait3A_151 = tpu.memref_slice %arg14[%rem3A_143] : memref<2x!tpu.dma_semaphore, #tpu.memory_space<semaphore_mem>> -> memref<1x!tpu.dma_semaphore, #tpu.memory_space<semaphore_mem>>
    %dma_wait3A_152 = tpu.memref_squeeze %dma_wait3A_151 : memref<1x!tpu.dma_semaphore, #tpu.memory_space<semaphore_mem>> -> memref<!tpu.dma_semaphore, #tpu.memory_space<semaphore_mem>>
    %dma_wait3A_153 = arith.constant 0 : i32
    %dma_wait3A_154 = tpu.memref_slice %arg5[%sub3A_116, %dma_wait3A_153, %multiple_of3A] : memref<200x64x1024xf32, #tpu.memory_space<hbm>> -> memref<1x64x128xf32, #tpu.memory_space<hbm>>
    %dma_wait3A_155 = tpu.memref_squeeze %dma_wait3A_154 : memref<1x64x128xf32, #tpu.memory_space<hbm>> -> memref<64x128xf32, #tpu.memory_space<hbm>>
    %dma_wait3A_156 = arith.constant 0 : i32
    %dma_wait3A_157 = arith.constant 0 : i32
    %dma_wait3A_158 = tpu.memref_slice %arg12[%rem3A_140, %dma_wait3A_156, %dma_wait3A_157] : memref<2x64x128xf32, #tpu.memory_space<vmem>> -> memref<1x64x128xf32, #tpu.memory_space<vmem>>
    %dma_wait3A_159 = tpu.memref_squeeze %dma_wait3A_158 : memref<1x64x128xf32, #tpu.memory_space<vmem>> -> memref<64x128xf32, #tpu.memory_space<vmem>>
    tpu.wait_dma2 semaphore(%dma_wait3A_152 : memref<!tpu.dma_semaphore, #tpu.memory_space<semaphore_mem>>) src(%dma_wait3A_159 : memref<64x128xf32, #tpu.memory_space<vmem>>) dst(%dma_wait3A_155 : memref<64x128xf32, #tpu.memory_space<hbm>>)
    return
  }
}

</mosaic_0001>

<sc_bundles>
// kernel: kernel.3.cloned.1.call-start
scs
__scs_entry_jumppad:
0x0: {  	(pc) =	sbr.rel $0x88, $3  }
0x1: {  	(tag) =	ssettag $0x0;
	lr =	simm.s32 $0x1  }
0x2: {  	[smem:$0x3F9E] =	sst lr;
	_ =	strace $0xD0000000  }
0x3: {  	_ = 	snop  }
0x4: {  	_ = 	snop  }
0x5: {  	_ = 	snop  }
0x6: {  	_ = 	snop  }
0x7: {  	_ = 	snop  }
__scs_overlays_trampoline_lowered:
0x8: {  	[smem:$0x3FAD] =	sst s0  }
0x9: {  	[smem:$0x3FAE] =	sst s1  }
0xa: {  	[smem:$0x3FAF] =	sst s2  }
0xb: {  	[smem:$0x3FB0] =	sst s3  }
0xc: {  	[smem:$0x3FB1] =	sst s4  }
0xd: {  	[smem:$0x3FB2] =	sst s5  }
0xe: {  	[smem:$0x3FB3] =	sst s6  }
0xf: {  	[smem:$0x3FB4] =	sst s7  }
0x10: {  	[smem:$0x3FB5] =	sst s8  }
0x11: {  	[smem:$0x3FB6] =	sst s9;
	s0 =	simm.s32 @!p0 $0x0  }
0x12: {  	s1 =	sld [smem:$0x3F9C];
	s0 =	simm.s32 @p0 $0x1  }
0x13: {  	[smem:$0x3FB7] =	sst s0;
	s0 =	simm.s32 @!p1 $0x0  }
0x14: {  	s2 =	sld [smem:$0x3F9B];
	s0 =	simm.s32 @p1 $0x1  }
0x15: {  	[smem:$0x3FB8] =	sst s0;
	s0 =	simm.s32 @!p2 $0x0  }
0x16: {  	s3 =	sld [smem:$0x3FDB];
	s0 =	simm.s32 @p2 $0x1  }
0x17: {  	s4 =	simm.s32 $0x1BF5;
	[smem:$0x3FBA] =	sst s0  }
0x18: {  	s0 =	sld [smem:$0x3F9D];
	_ =	swait.ge [sflag:s4], $0x0  }
0x19: {  	s7 =	sld [smem:$0x3F9E]  }
0x1a: {  	s8 =	sadd.s32 $0xFFFFE003, lr  }
0x1b: {  	s9 =	sadd.s32 $0xFFFFFEF7, lr;
	s5 =	simm.s32 $0xFFFFFFFF;
	p2 =	slt.u32 s8, $0xFFFFF086  }
0x1c: {  	p1 =	slt.u32 s9, $0xF7A;
	s5 =	simm.s32 @!p2 $0x0  }
0x1d: {  	s5 =	simm.s32 @p1 $0x1;
	p0 =	seq.s32 s7, s2  }
0x1e: {  	s7 =	smul.u32 @!p0 $0xF7A, s2;
	p2 =	seq.s32 @!p0 s5, $0x0  }
0x1f: {  	s9 =	smul.u32 $0xF7A, s1;
	s8 =	simm.s32 @!p0 $0x1BF5;
	p2 =	por !p2, p0  }
0x20: {  	[sflag:s8] =	ssyncset.s32 @!p0 $0xFFFFF086;
	s6 =	sadd.s32 @!p0 s3, s7;
	s7 =	simm.s32 @!p0 $0x108  }
0x21: {  	s3 =	sadd.s32 s3, s9;
	s6 =	sadd.s32 @!p0 $0x88, s6;
	s7 =	simm.s32 @p2 $0x1082  }
0x22: {  	[simem:s7], [sflag:s8] =	dma.local @!p0 [hbm:s6], $0xF7A  }
0x23: {  	s9 =	sor.u32 $0xD0000000, s2;
	s6 =	simm.s32 $0x108;
	_ =	swait.ge @!p0 [sflag:s8], $0x0  }
0x24: {  	s3 =	sadd.s32 $0x88, s3;
	s6 =	simm.s32 @!p1 $0x1082;
	[sflag:s4] =	ssyncset.s32 $0xFFFFF086  }
0x25: {  	[simem:s6], [sflag:s4] =	dma.local [hbm:s3], $0xF7A  }
0x26: {  	[smem:$0x3F9E] =	sst s1;
	(tag) =	ssettag s2;
	_ =	strace s9  }
0x27: {  	s1 =	sld [smem:$0x3FAE]  }
0x28: {  	s2 =	sld [smem:$0x3FAF]  }
0x29: {  	s4 =	sld [smem:$0x3FB1]  }
0x2a: {  	p0 =	seq.s32 s5, $0x0;
	s5 =	sld [smem:$0x3FB2]  }
0x2b: {  	s6 =	sld [smem:$0x3FB3]  }
0x2c: {  	s7 =	sld [smem:$0x3FB4]  }
0x2d: {  	s3 =	simm.s32 $0x108;
	s8 =	sld [smem:$0x3FB5]  }
0x2e: {  	s3 =	simm.s32 @!p0 $0x1082;
	s9 =	sld [smem:$0x3FB6]  }
0x2f: {  	lr =	sadd.s32 s0, s3;
	s0 =	sld [smem:$0x3FAD]  }
0x30: {  	s3 =	sld [smem:$0x3FB0]  }
0x31: {  	[smem:$0x3FB9] =	sst s10  }
0x32: {  	s10 =	sld [smem:$0x3FB7];
	_ =	sdelay $0x3  }
0x33: {  	p0 =	seq.s32 s10, $0x1;
	s10 =	sld [smem:$0x3FB9];
	_ =	sdelay $0x3  }
0x34: {  	[smem:$0x3FB9] =	sst s10  }
0x35: {  	s10 =	sld [smem:$0x3FB8];
	_ =	sdelay $0x3  }
0x36: {  	p1 =	seq.s32 s10, $0x1;
	s10 =	sld [smem:$0x3FB9];
	_ =	sdelay $0x3  }
0x37: {  	[smem:$0x3FB9] =	sst s10  }
0x38: {  	s10 =	sld [smem:$0x3FBA]  }
0x39: {  	_ = 	snop;
	(pc) =	sbr.ind lr, $3  }
0x3a: {  	_ = 	snop  }
0x3b: {  	_ = 	snop  }
0x3c: {  	p2 =	seq.s32 s10, $0x1;
	s10 =	sld [smem:$0x3FB9]  }
0x3d: {  	_ =	shalt  }
0x3e: {  	_ =	shalt  }
0x3f: {  	_ =	shalt  }
0x40: {  	_ =	shalt  }
0x41: {  	_ =	shalt  }
0x42: {  	_ =	shalt  }
0x43: {  	_ =	shalt  }
0x44: {  	_ =	shalt  }
0x45: {  	_ =	shalt  }
0x46: {  	_ =	shalt  }
0x47: {  	_ =	shalt  }
0x48: {  	_ =	shalt  }
0x49: {  	_ =	shalt  }
0x4a: {  	_ =	shalt  }
0x4b: {  	_ =	shalt  }
0x4c: {  	_ =	shalt  }
0x4d: {  	_ =	shalt  }
0x4e: {  	_ =	shalt  }
0x4f: {  	_ =	shalt  }
0x50: {  	_ =	shalt  }
0x51: {  	_ =	shalt  }
0x52: {  	_ =	shalt  }
0x53: {  	_ =	shalt  }
0x54: {  	_ =	shalt  }
0x55: {  	_ =	shalt  }
0x56: {  	_ =	shalt  }
0x57: {  	_ =	shalt  }
0x58: {  	_ =	shalt  }
0x59: {  	_ =	shalt  }
0x5a: {  	_ =	shalt  }
0x5b: {  	_ =	shalt  }
0x5c: {  	_ =	shalt  }
0x5d: {  	_ =	shalt  }
0x5e: {  	_ =	shalt  }
0x5f: {  	_ =	shalt  }
0x60: {  	_ =	shalt  }
0x61: {  	_ =	shalt  }
0x62: {  	_ =	shalt  }
0x63: {  	_ =	shalt  }
0x64: {  	_ =	shalt  }
0x65: {  	_ =	shalt  }
0x66: {  	_ =	shalt  }
0x67: {  	_ =	shalt  }
0x68: {  	_ =	shalt  }
0x69: {  	_ =	shalt  }
0x6a: {  	_ =	shalt  }
0x6b: {  	_ =	shalt  }
0x6c: {  	_ =	shalt  }
0x6d: {  	_ =	shalt  }
0x6e: {  	_ =	shalt  }
0x6f: {  	_ =	shalt  }
0x70: {  	_ =	shalt  }
0x71: {  	_ =	shalt  }
0x72: {  	_ =	shalt  }
0x73: {  	_ =	shalt  }
0x74: {  	_ =	shalt  }
0x75: {  	_ =	shalt  }
0x76: {  	_ =	shalt  }
0x77: {  	_ =	shalt  }
0x78: {  	_ =	shalt  }
0x79: {  	_ =	shalt  }
0x7a: {  	_ =	shalt  }
0x7b: {  	_ =	shalt  }
0x7c: {  	_ =	shalt  }
0x7d: {  	_ =	shalt  }
0x7e: {  	_ =	shalt  }
0x7f: {  	_ =	shalt  }
0x80: {  	_ =	shalt  }
0x81: {  	_ =	shalt  }
0x82: {  	_ =	shalt  }
0x83: {  	_ =	shalt  }
0x84: {  	_ =	shalt  }
0x85: {  	_ =	shalt  }
0x86: {  	_ =	shalt  }
0x87: {  	_ =	shalt  }
.Lfunc_end0:
.L_simem_size_0:
called_computation_lowered:
.L_overlay_start_0:
0x88: {  	s2 =	sld [smem:$0x3FD9]  }
0x89: {  	s3 =	sld [smem:$0x3FFE];
	_ =	sdelay $0x1  }
0x8a: {  	s1 =	srdreg.scid  }
0x8b: {  	s0 =	sand.u32 $0x1, s1  }
0x8c: {  	s17 =	sshll.u32 s0, $0xA;
	s2 =	sadd.s32 s3, s2  }
0x8d: {  	s2 =	sadd.s32 s2, s17  }
0x8e: {  	[smem:$0x3FC5] =	sst s2  }
0x8f: {  	_ = 	snop  }
0x90: {  	s2 =	sld [smem:$0x3FC9]  }
0x91: {  	s18 =	sld [smem:$0x3FD0];
	(tm) =	ssettm $0x1  }
0x92: {  	s4 =	sld [smem:$0x3FFB];
	_ =	sdelay $0x3  }
0x93: {  	_ =	strace s4  }
0x94: {  	s4 =	sld [smem:$0x3FFC];
	_ =	sdelay $0x3  }
0x95: {  	_ =	strace s4  }
0x96: {  	s4 =	sld [smem:$0x3FFD];
	_ =	sdelay $0x3  }
0x97: {  	_ =	strace s4  }
0x98: {  	_ =	strace $0x8FFFFFFF  }
0x99: {  	s19 =	sld [smem:$0x3FDB];
	_ =	sdelay $0x1  }
0x9a: {  	s5 =	simm.s32 $_scs_section_size  }
0x9b: {  	s6 =	simm.s32 $_size__tile_overlayer_lowered;
	s7 =	simm.s32 $_tile_overlayer_lowered  }
0x9c: {  	s22 =	simm.s32 $0x1BFF;
	s21 =	sshll.u32 s7, $0x1;
	s4 =	sadd.s32 s5, s19  }
0x9d: {  	s8 =	simm.s32 $0x0;
	s20 =	sshll.u32 s6, $0x1;
	s6 =	sadd.s32 s21, s4  }
0x9e: {  	[timem:s8], [sflag:s22] =	dma.local [hbm:s6], s20  }
0x9f: {  	_ =	swait.ge [sflag:s22], s20  }
0xa0: {  	s5 =	ssub.s32 $0x0, s20;
	[sflag:s22] =	ssyncset.done $0x0  }
0xa1: {  	[sflag:s22] =	ssyncadd.s32 s5;
	_ =	sdelay $0x1  }
0xa2: {  	s23 =	simm.s32 $0x1B8B  }
0xa3: {  	_ =	swait.ge [sflag:s23], $0x1  }
0xa4: {  	[sflag:s23] =	ssyncset.done $0x0  }
0xa5: {  	s25 =	simm.s32 $0x1B8E;
	s24 =	sld [smem:$0x3FFE];
	[sflag:s23] =	ssyncadd.s32 $0xFFFFFFFF  }
0xa6: {  	s26 =	simm.s32 $execute0_lowered;
	[smem:$0x3FD2] =	sst s25  }
0xa7: {  	s6 =	sshll.u32 s26, $0x1;
	_ =	strace $0x80000046;
	[dreg:$0x1] =	wrdreg $0xFFFFFFFF  }
0xa8: {  	s28 =	simm.s32 $_size_execute0_lowered;
	s4 =	sadd.s32 s4, s6;
	[dreg:$0x0] =	wrdreg $0x0  }
0xa9: {  	s6 =	sshll.u32 s28, $0x1;
	[dreg:$0x2] =	wrdreg s4  }
0xaa: {  	[dreg:$0x3] =	wrdreg s6  }
0xab: {  	[dreg:$0x4] =	wrdreg $0xC0  }
0xac: {  	_ =	task [dreg:s8], $0x5FFFF  }
0xad: {  	[dreg:$0x1] =	wrdreg $0xFFFFFFFF  }
0xae: {  	[dreg:$0x0] =	wrdreg $0x60  }
0xaf: {  	[dreg:$0x2] =	wrdreg s24  }
0xb0: {  	[dreg:$0x3] =	wrdreg s2  }
0xb1: {  	[dreg:$0x4] =	wrdreg s18  }
0xb2: {  	[dreg:$0x5] =	wrdreg $0x9  }
0xb3: {  	_ =	task.clear_ibuf [dreg:s8], $0x6FFFF;
	_ =	strace $0x90000046  }
0xb4: {  	s29 =	simm.s32 $0x9;
	_ =	strace $0x80000048  }
0xb5: {  	_ =	swait.ge [sflag:s29], $0x1  }
0xb6: {  	[sflag:s29] =	ssyncadd.s32 $0xFFFFFFFF  }
0xb7: {  	_ =	strace $0x90000048  }
0xb8: {  	_ =	sfence  }
0xb9: {  	s30 =	sld [smem:$0x0];
	_ =	sdelay $0x2  }
0xba: {  	s31 =	sshll.u32 s1, $0xD;
	s1 =	sshrl.u32 s1, $0x2  }
0xbb: {  	s3 =	sand.u32 $0x4000, s31;
	s1 =	sadd.s32 s1, s30  }
0xbc: {  	s0 =	sor.u32 s3, s0;
	s1 =	sshll.u32 s1, $0x11  }
0xbd: {  	s0 =	sor.u32 s1, s0  }
0xbe: {  	s0 =	sadd.s32 $0x8F2B, s0  }
0xbf: {  	[sflag:s0] =	ssyncadd.remote.s32 $0x1  }
0xc0: {  	_ =	sfence.sel $0xFFFF  }
0xc1: {  	[dreg:$0x0] =	wrdreg $0xFFFFFFFF;
	(pc) =	sbr.abs _section_cstart, $3  }
0xc2: {  	[dreg:$0x1] =	wrdreg $0xFFFFFFFF  }
0xc3: {  	_ =	task.clear_ibuf [dreg:s8], $0x2FFFF;
	_ =	strace $0x9FFFFFFF  }
0xc4: {  	(tm) =	ssettm $0x7FFFFFFF  }
0xc5: {  	_ =	shalt  }
tec
execute0_lowered:
.L_overlay_start_1:
0x0: {  	(tag) =	ssettag $0x1  }
0x1: {  	s0 =	rddreg [dreg:$0x0]  }
0x2: {  	s1 =	rddreg [dreg:$0x1]  }
0x3: {  	s2 =	rddreg [dreg:$0x2];
	s3 =	simm.s32 $0x0;
	s4 =	srdreg.scid  }
0x4: {  	s7 =	stileid.u32;
	v0 =	vimm.s32 $0x6;
	s10 =	simm.s32 $0x400;
	s11 =	simm.s32 $0x2000  }
0x5: {  	v1 =	vimm.s32 $0x0;
	v2 =	vimm.s32 $0x1;
	v3 =	vimm.s32 $0x2;
	s12 =	simm.s32 $0x5;
	s17 =	simm.s32 $0x3;
	s18 =	simm.s32 $0x4  }
0x6: {  	v4 =	vimm.s32 $0x3;
	v5 =	vimm.s32 $0x4;
	v6 =	vimm.s32 $0x5;
	s19 =	simm.s32 $0x0;
	[smem:$0x7FF] =	sst s3;
	s3 =	sadd.s32 $0xF42A00, s0  }
0x7: {  	v7 =	vimm.s32 $0x7;
	v8 =	vimm.s32 $0x8;
	v11 =	vlaneseq.u32;
	s4 =	sand.u32 $0x1, s4;
	s5 =	sshll.u32 s7, $0x1;
	s7 =	sshrl.u32 s7, $0x2  }
0x8: {  	v9 =	vimm.s32 $0x9;
	v10 =	vimm.s32 $0xA;
	s0 =	sadd.s32 $0x600, s0;
	v11 =	vmul.u32 $0x80, v11;
	_ =	strace $0x80000047;
	s6 =	ssub.s32 $0x2, s4  }
0x9: {  	v12 =	vimm.s32 $0xB;
	v13 =	vimm.s32 $0xC;
	v14 =	vimm.s32 $0xD;
	s5 =	sand.u32 $0x6, s5;
	s9 =	smul.u32 $0x6400, s7;
	[dreg:$0x4] =	wrdreg s0  }
0xa: {  	v15 =	vimm.s32 $0xE;
	v16 =	vimm.s32 $0xF;
	s8 =	sshrl.u32 s6, $0x1;
	s4 =	sor.u32 s4, s5;
	s5 =	smul.u32 $0x32, s7;
	v17 =	vor.u32 $0x800, v11  }
0xb: {  	v18 =	vor.u32 $0x1000, v11;
	v19 =	vor.u32 $0x1800, v11;
	v20 =	vor.u32 $0x2000, v11;
	s31 =	ssub.s32 s6, s8;
	s4 =	sshll.u32 s4, $0x7;
	s7 =	sshrl.u32 s9, $0x2  }
0xc: {  	v21 =	vor.u32 $0x2800, v11;
	v22 =	vor.u32 $0x3000, v11;
	v23 =	vor.u32 $0x3800, v11;
	s6 =	sadd.s32 s1, s4;
	s8 =	sadd.s32 s2, s4;
	s9 =	smax.u32 s31, $0x1  }
.LBB2_1:
0xd: {  	s0 =	simm.s32 $0x0  }
0xe: {  	[tilespmem:s0], [sflag:$0x5] =	stream.strided.gather [hbm4b:s6+s10], $0x6400, s11, s10, $0x38;
	[tilespmem:$0x1A880] =	vst v63  }
0xf: {  	_ =	swait.ge [sflag:s12], $0x6400  }
0x10: {  	[sflag:s12] =	ssyncset.done $0x0  }
0x11: {  	s2 =	simm.s32 $0x6400;
	s1 =	rddreg [dreg:$0x4];
	[sflag:s12] =	ssyncadd.s32 $0xFFFF9C00  }
0x12: {  	[tilespmem:s2], [sflag:$0x5] =	stream.linear.gather [hbm4b:s1+s0], $0x6400, $0x38;
	[tilespmem:$0x1A880] =	vst v63  }
0x13: {  	_ =	swait.ge [sflag:s12], $0x6400  }
0x14: {  	[sflag:s12] =	ssyncset.done $0x0  }
0x15: {  	[sflag:s12] =	ssyncadd.s32 $0xFFFF9C00  }
0x16: {  	v24 =	vld [tilespmem:s7+$0x0];
	_ =	sdelay $0x4  }
0x17: {  	v24 =	vshrl.u32 v24, $0x1  }
0x18: {  	[tilespmem:$0xC800] =	vst v24  }
0x19: {  	v24 =	vld [tilespmem:s7+$0x10];
	_ =	sdelay $0x4  }
0x1a: {  	v24 =	vshrl.u32 v24, $0x1  }
0x1b: {  	[tilespmem:$0xC810] =	vst v24  }
0x1c: {  	v24 =	vld [tilespmem:s7+$0x20];
	_ =	sdelay $0x4  }
0x1d: {  	v24 =	vshrl.u32 v24, $0x1  }
0x1e: {  	[tilespmem:$0xC820] =	vst v24  }
0x1f: {  	v24 =	vld [tilespmem:s7+$0x30];
	_ =	sdelay $0x4  }
0x20: {  	v24 =	vshrl.u32 v24, $0x1  }
0x21: {  	[tilespmem:$0xC830] =	vst v24  }
0x22: {  	v24 =	vld [tilespmem:s7+$0x40];
	_ =	sdelay $0x4  }
0x23: {  	v24 =	vshrl.u32 v24, $0x1  }
0x24: {  	[tilespmem:$0xC840] =	vst v24  }
0x25: {  	v24 =	vld [tilespmem:s7+$0x50];
	_ =	sdelay $0x4  }
0x26: {  	v24 =	vshrl.u32 v24, $0x1  }
0x27: {  	[tilespmem:$0xC850] =	vst v24  }
0x28: {  	v24 =	vld [tilespmem:s7+$0x60];
	_ =	sdelay $0x4  }
0x29: {  	v24 =	vshrl.u32 v24, $0x1  }
0x2a: {  	[tilespmem:$0xC860] =	vst v24  }
0x2b: {  	v24 =	vld [tilespmem:s7+$0x70];
	_ =	sdelay $0x4  }
0x2c: {  	s29 =	simm.s32 $0x80;
	s30 =	simm.s32 $0xC800;
	v24 =	vshrl.u32 v24, $0x1  }
0x2d: {  	s31 =	simm.s32 $0xE880;
	p0 =	por $0x0, $0x0;
	s21 =	simm.s32 $0x0;
	[tilespmem:$0xC870] =	vst v24  }
0x2e: {  	[tilespmem:s31], [sflag:$0x1] =	stream.indirect.gather [hbm4b:s3+s29], $0x80, s30, s29, $0xb8;
	[tilespmem:$0x1A880] =	vst v63  }
.LBB2_2:
0x2f: {  	s13 =	sand.u32 $0x1, s21  }
0x30: {  	s1 =	sadd.s32 $0x1, s13  }
0x31: {  	_ =	swait.ge [sflag:s1], $0x4000  }
0x32: {  	s20 =	sadd.s32 s5, s21;
	[sflag:s1] =	ssyncset.done $0x0  }
0x33: {  	s24 =	sshll.u32 s20, $0x7;
	[sflag:s1] =	ssyncadd.s32 $0xFFFFC000  }
0x34: {  	v29 =	vld [tilespmem:s24+$0x0]  }
0x35: {  	v30 =	vld [tilespmem:s24+$0x6400]  }
0x36: {  	v28 =	vld [tilespmem:s24+$0x10]  }
0x37: {  	v27 =	vld [tilespmem:s24+$0x20]  }
0x38: {  	v26 =	vld [tilespmem:s24+$0x30]  }
0x39: {  	v24 =	vld [tilespmem:s24+$0x40]  }
0x3a: {  	v25 =	vld [tilespmem:s24+$0x50];
	v31 =	vperm.xlane v30, v1  }
0x3b: {  	v34 =	vld [tilespmem:s24+$0x60];
	v32 =	vperm.xlane v30, v2  }
0x3c: {  	v38 =	vld [tilespmem:s24+$0x70];
	[tilespmem:$0xC880] =	vst v31;
	v31 =	vperm.xlane v30, v3  }
0x3d: {  	v62 =	vperm.xlane v30, v4;
	[tilespmem:$0xC900] =	vst v32  }
0x3e: {  	[tilespmem:$0xC980] =	vst v31;
	v31 =	vperm.xlane v30, v5  }
0x3f: {  	v63 =	vperm.xlane v30, v6;
	[tilespmem:$0xCA00] =	vst v62  }
0x40: {  	[tilespmem:$0xCA80] =	vst v31;
	v31 =	vperm.xlane v30, v0  }
0x41: {  	v36 =	vperm.xlane v30, v7;
	[tilespmem:$0xCB00] =	vst v63  }
0x42: {  	[tilespmem:$0xCB80] =	vst v31;
	v31 =	vperm.xlane v30, v8  }
0x43: {  	v37 =	vperm.xlane v30, v9;
	[tilespmem:$0xCC00] =	vst v36  }
0x44: {  	[tilespmem:$0xCC80] =	vst v31;
	v31 =	vperm.xlane v30, v10  }
0x45: {  	v39 =	vperm.xlane v30, v12;
	[tilespmem:$0xCD00] =	vst v37  }
0x46: {  	[tilespmem:$0xCD80] =	vst v31;
	v31 =	vperm.xlane v30, v13  }
0x47: {  	v40 =	vperm.xlane v30, v14;
	[tilespmem:$0xCE00] =	vst v39  }
0x48: {  	[tilespmem:$0xCE80] =	vst v31;
	v31 =	vperm.xlane v30, v15  }
0x49: {  	[tilespmem:$0xCF00] =	vst v40;
	v30 =	vperm.xlane v30, v16  }
0x4a: {  	[tilespmem:$0xCF80] =	vst v31  }
0x4b: {  	[tilespmem:$0xD000] =	vst v30  }
0x4c: {  	v30 =	vld [tilespmem:s24+$0x6410];
	_ =	sdelay $0x4  }
0x4d: {  	v31 =	vperm.xlane v30, v1  }
0x4e: {  	v41 =	vperm.xlane v30, v2  }
0x4f: {  	[tilespmem:$0xD080] =	vst v31;
	v31 =	vperm.xlane v30, v3  }
0x50: {  	v42 =	vperm.xlane v30, v4;
	[tilespmem:$0xD100] =	vst v41  }
0x51: {  	[tilespmem:$0xD180] =	vst v31;
	v31 =	vperm.xlane v30, v5  }
0x52: {  	v43 =	vperm.xlane v30, v6;
	[tilespmem:$0xD200] =	vst v42  }
0x53: {  	[tilespmem:$0xD280] =	vst v31;
	v31 =	vperm.xlane v30, v0  }
0x54: {  	v44 =	vperm.xlane v30, v7;
	[tilespmem:$0xD300] =	vst v43  }
0x55: {  	[tilespmem:$0xD380] =	vst v31;
	v31 =	vperm.xlane v30, v8  }
0x56: {  	v45 =	vperm.xlane v30, v9;
	[tilespmem:$0xD400] =	vst v44  }
0x57: {  	[tilespmem:$0xD480] =	vst v31;
	v31 =	vperm.xlane v30, v10  }
0x58: {  	v46 =	vperm.xlane v30, v12;
	[tilespmem:$0xD500] =	vst v45  }
0x59: {  	[tilespmem:$0xD580] =	vst v31;
	v31 =	vperm.xlane v30, v13  }
0x5a: {  	v47 =	vperm.xlane v30, v14;
	[tilespmem:$0xD600] =	vst v46  }
0x5b: {  	[tilespmem:$0xD680] =	vst v31;
	v31 =	vperm.xlane v30, v15  }
0x5c: {  	[tilespmem:$0xD700] =	vst v47;
	v30 =	vperm.xlane v30, v16  }
0x5d: {  	[tilespmem:$0xD780] =	vst v31  }
0x5e: {  	[tilespmem:$0xD800] =	vst v30  }
0x5f: {  	v30 =	vld [tilespmem:s24+$0x6420];
	_ =	sdelay $0x4  }
0x60: {  	v31 =	vperm.xlane v30, v1  }
0x61: {  	v48 =	vperm.xlane v30, v2  }
0x62: {  	[tilespmem:$0xD880] =	vst v31;
	v31 =	vperm.xlane v30, v3  }
0x63: {  	v49 =	vperm.xlane v30, v4;
	[tilespmem:$0xD900] =	vst v48  }
0x64: {  	[tilespmem:$0xD980] =	vst v31;
	v31 =	vperm.xlane v30, v5  }
0x65: {  	v50 =	vperm.xlane v30, v6;
	[tilespmem:$0xDA00] =	vst v49  }
0x66: {  	[tilespmem:$0xDA80] =	vst v31;
	v31 =	vperm.xlane v30, v0  }
0x67: {  	v51 =	vperm.xlane v30, v7;
	[tilespmem:$0xDB00] =	vst v50  }
0x68: {  	[tilespmem:$0xDB80] =	vst v31;
	v31 =	vperm.xlane v30, v8  }
0x69: {  	v52 =	vperm.xlane v30, v9;
	[tilespmem:$0xDC00] =	vst v51  }
0x6a: {  	[tilespmem:$0xDC80] =	vst v31;
	v31 =	vperm.xlane v30, v10  }
0x6b: {  	v53 =	vperm.xlane v30, v12;
	[tilespmem:$0xDD00] =	vst v52  }
0x6c: {  	[tilespmem:$0xDD80] =	vst v31;
	v31 =	vperm.xlane v30, v13  }
0x6d: {  	v54 =	vperm.xlane v30, v14;
	[tilespmem:$0xDE00] =	vst v53  }
0x6e: {  	[tilespmem:$0xDE80] =	vst v31;
	v31 =	vperm.xlane v30, v15  }
0x6f: {  	[tilespmem:$0xDF00] =	vst v54;
	v30 =	vperm.xlane v30, v16  }
0x70: {  	[tilespmem:$0xDF80] =	vst v31  }
0x71: {  	[tilespmem:$0xE000] =	vst v30  }
0x72: {  	v30 =	vld [tilespmem:s24+$0x6430];
	_ =	sdelay $0x4  }
0x73: {  	v31 =	vperm.xlane v30, v1  }
0x74: {  	v55 =	vperm.xlane v30, v2  }
0x75: {  	[tilespmem:$0xE080] =	vst v31;
	v31 =	vperm.xlane v30, v3  }
0x76: {  	v56 =	vperm.xlane v30, v4;
	[tilespmem:$0xE100] =	vst v55  }
0x77: {  	[tilespmem:$0xE180] =	vst v31;
	v31 =	vperm.xlane v30, v5  }
0x78: {  	v57 =	vperm.xlane v30, v6;
	[tilespmem:$0xE200] =	vst v56  }
0x79: {  	[tilespmem:$0xE280] =	vst v31;
	v31 =	vperm.xlane v30, v0  }
0x7a: {  	v58 =	vperm.xlane v30, v7;
	[tilespmem:$0xE300] =	vst v57  }
0x7b: {  	[tilespmem:$0xE380] =	vst v31;
	v31 =	vperm.xlane v30, v8  }
0x7c: {  	v59 =	vperm.xlane v30, v9;
	[tilespmem:$0xE400] =	vst v58  }
0x7d: {  	[tilespmem:$0xE480] =	vst v31;
	v31 =	vperm.xlane v30, v10  }
0x7e: {  	v60 =	vperm.xlane v30, v12;
	[tilespmem:$0xE500] =	vst v59  }
0x7f: {  	[tilespmem:$0xE580] =	vst v31;
	v31 =	vperm.xlane v30, v13  }
0x80: {  	s0 =	smov.u32 s21;
	v61 =	vperm.xlane v30, v14;
	[tilespmem:$0xE600] =	vst v60  }
0x81: {  	s21 =	sadd.s32 $0x1, s21;
	p1 =	seq.s32 s0, $0x31;
	[tilespmem:$0xE680] =	vst v31;
	v31 =	vperm.xlane v30, v15  }
0x82: {  	s1 =	sadd.s32 @!p1 s5, s21;
	[tilespmem:$0xE700] =	vst v61;
	v30 =	vperm.xlane v30, v16  }
0x83: {  	s1 =	sshll.u32 @!p1 s1, $0x7;
	[tilespmem:$0xE780] =	vst v31  }
0x84: {  	s1 =	sand.u32 @!p1 $0x3FFFFF80, s1;
	[tilespmem:$0xE800] =	vst v30  }
0x85: {  	v30 =	vld @!p1 [tilespmem:s1+$0x0];
	_ =	sdelay $0x4  }
0x86: {  	v30 =	vshrl.u32 @!p1 v30, $0x1  }
0x87: {  	[tilespmem:$0xC800] =	vst @!p1 v30  }
0x88: {  	v30 =	vld @!p1 [tilespmem:s1+$0x10];
	_ =	sdelay $0x4  }
0x89: {  	v30 =	vshrl.u32 @!p1 v30, $0x1  }
0x8a: {  	[tilespmem:$0xC810] =	vst @!p1 v30  }
0x8b: {  	v30 =	vld @!p1 [tilespmem:s1+$0x20];
	_ =	sdelay $0x4  }
0x8c: {  	v30 =	vshrl.u32 @!p1 v30, $0x1  }
0x8d: {  	[tilespmem:$0xC820] =	vst @!p1 v30  }
0x8e: {  	v30 =	vld @!p1 [tilespmem:s1+$0x30];
	_ =	sdelay $0x4  }
0x8f: {  	v30 =	vshrl.u32 @!p1 v30, $0x1  }
0x90: {  	[tilespmem:$0xC830] =	vst @!p1 v30  }
0x91: {  	v30 =	vld @!p1 [tilespmem:s1+$0x40];
	_ =	sdelay $0x4  }
0x92: {  	v30 =	vshrl.u32 @!p1 v30, $0x1  }
0x93: {  	[tilespmem:$0xC840] =	vst @!p1 v30  }
0x94: {  	v30 =	vld @!p1 [tilespmem:s1+$0x50];
	_ =	sdelay $0x4  }
0x95: {  	v30 =	vshrl.u32 @!p1 v30, $0x1  }
0x96: {  	[tilespmem:$0xC850] =	vst @!p1 v30  }
0x97: {  	v30 =	vld @!p1 [tilespmem:s1+$0x60];
	_ =	sdelay $0x4  }
0x98: {  	v30 =	vshrl.u32 @!p1 v30, $0x1  }
0x99: {  	[tilespmem:$0xC860] =	vst @!p1 v30  }
0x9a: {  	v30 =	vld @!p1 [tilespmem:s1+$0x70];
	_ =	sdelay $0x3  }
0x9b: {  	s16 =	simm.s32 $0x2;
	s1 =	sxor.u32 @!p1 $0x1, s13  }
0x9c: {  	s4 =	simm.s32 @!p1 $0x80;
	s14 =	simm.s32 @!p1 $0xC800;
	v29 =	vshll.u32 v29, $0x6;
	s2 =	sshll.u32 @!p1 s1, $0xE;
	v30 =	vshrl.u32 @!p1 v30, $0x1  }
0x9d: {  	p2 =	slt.u32 @!p1 s0, $0x2;
	v29 =	vand.u32 $0x40, v29;
	s1 =	sadd.s32 @!p1 $0x1, s1;
	s2 =	sadd.s32 @!p1 $0xE880, s2;
	[tilespmem:$0xC870] =	vst @!p1 v30  }
0x9e: {  	v35 =	vor.u32 v11, v29;
	[tilespmem:s2], [sflag:s1] =	stream.indirect.gather @!p1 [hbm4b:s3+s4], $0x80, s14, s4, $0xb8;
	[tilespmem:$0x1A880] =	vst v63  }
0x9f: {  	s22 =	sadd.s32 $0x3, s13;
	v33 =	vor.u32 s16, v35;
	p1 =	por p1, !p2;
	s14 =	simm.s32 $0x0  }
0xa0: {  	s4 =	simm.s32 $0x3;
	_ =	swait.ge @p1 [sflag:s22], $0x2000;
	v29 =	vor.u32 s14, v35  }
0xa1: {  	s2 =	simm.s32 $0x1;
	v30 =	vor.u32 s4, v35;
	[sflag:s22] =	ssyncset.done @p1 $0x0  }
0xa2: {  	s26 =	simm.s32 $0xC980;
	s25 =	sshll.u32 s13, $0xE;
	v62 =	vor.u32 s2, v35;
	[sflag:s22] =	ssyncadd.s32 @p1 $0xFFFFE000  }
0xa3: {  	s23 =	sadd.s32 $0xE880, s25;
	v31 =	vld [tilespmem:s26+$0x80]  }
0xa4: {  	v33 =	vld.idx.msk [tilespmem:v33+s23+$0x0], $0xffff  }
0xa5: {  	v36 =	vld.idx.msk [tilespmem:v29+s23+$0x0], $0xffff  }
0xa6: {  	v39 =	vld.idx.msk [tilespmem:v30+s23+$0x0], $0xffff  }
0xa7: {  	v28 =	vshll.u32 v28, $0x6;
	v32 =	vld.idx.msk [tilespmem:v62+s23+$0x0], $0xffff  }
0xa8: {  	v28 =	vand.u32 $0x40, v28;
	v30 =	vld [tilespmem:s26+$0xFFFFFF80]  }
0xa9: {  	v37 =	vor.u32 v17, v28;
	v29 =	vld [tilespmem:s26+$0x0]  }
0xaa: {  	s1 =	simm.s32 $0x1;
	v40 =	vor.u32 s4, v37;
	v28 =	vld [tilespmem:s26+$0xFFFFFF00]  }
0xab: {  	s1 =	simm.s32 @!p0 $0x0;
	v41 =	vor.u32 s2, v37  }
0xac: {  	v42 =	vor.u32 s16, v37;
	s1 =	sshll.u32 s1, $0xD;
	v39 =	vadd.f32 v39, v31  }
0xad: {  	v27 =	vshll.u32 v27, $0x6;
	s31 =	sadd.s32 $0x16980, s1;
	v32 =	vadd.f32 v32, v30  }
0xae: {  	v27 =	vand.u32 $0x40, v27;
	v33 =	vadd.f32 v33, v29;
	[tilespmem:s31+$0x80] =	vst v39  }
0xaf: {  	v39 =	vor.u32 v18, v27;
	v27 =	vadd.f32 v36, v28;
	[tilespmem:s31+$0xFFFFFF80] =	vst v32;
	v40 =	vld.idx.msk [tilespmem:v40+s23+$0x0], $0xffff  }
0xb0: {  	v43 =	vor.u32 s14, v37;
	[tilespmem:s31+$0x0] =	vst v33;
	v32 =	vld.idx.msk [tilespmem:v41+s23+$0x0], $0xffff  }
0xb1: {  	[tilespmem:s31+$0xFFFFFF00] =	vst v27;
	v27 =	vld.idx.msk [tilespmem:v42+s23+$0x0], $0xffff  }
0xb2: {  	v63 =	vor.u32 s4, v39  }
0xb3: {  	v47 =	vor.u32 s2, v39  }
0xb4: {  	v48 =	vor.u32 s16, v39;
	v46 =	vadd.f32 v40, v31  }
0xb5: {  	v26 =	vshll.u32 v26, $0x6;
	v45 =	vld.idx.msk [tilespmem:v43+s23+$0x0], $0xffff;
	v32 =	vadd.f32 v32, v30  }
0xb6: {  	v26 =	vand.u32 $0x40, v26;
	s24 =	simm.s32 $0x4;
	v27 =	vadd.f32 v27, v29;
	[tilespmem:s31+$0x90] =	vst v46  }
0xb7: {  	v36 =	vor.u32 v19, v26;
	v26 =	vor.u32 s24, v35;
	[tilespmem:s31+$0xFFFFFF90] =	vst v32;
	v33 =	vld.idx.msk [tilespmem:v63+s23+$0x0], $0xffff  }
0xb8: {  	s30 =	simm.s32 $0x7;
	v49 =	vor.u32 s14, v39;
	v32 =	vld.idx.msk [tilespmem:v47+s23+$0x0], $0xffff;
	[tilespmem:s31+$0x10] =	vst v27  }
0xb9: {  	v53 =	vor.u32 s30, v35;
	v51 =	vld.idx.msk [tilespmem:v48+s23+$0x0], $0xffff  }
0xba: {  	v41 =	vadd.f32 v45, v28;
	v27 =	vor.u32 s4, v36  }
0xbb: {  	v44 =	vor.u32 s2, v36  }
0xbc: {  	s26 =	simm.s32 $0x6;
	v45 =	vld.idx.msk [tilespmem:v26+s23+$0x0], $0xffff;
	v26 =	vor.u32 s16, v36;
	[tilespmem:s31+$0xFFFFFF10] =	vst v41;
	v33 =	vadd.f32 v33, v31  }
0xbd: {  	s25 =	simm.s32 $0x5;
	v52 =	vor.u32 s26, v35;
	v43 =	vld.idx.msk [tilespmem:v49+s23+$0x0], $0xffff;
	v32 =	vadd.f32 v32, v30  }
0xbe: {  	v50 =	vor.u32 s25, v35;
	v57 =	vld.idx.msk [tilespmem:v53+s23+$0x0], $0xffff;
	v41 =	vadd.f32 v51, v29;
	[tilespmem:s31+$0xA0] =	vst v33  }
0xbf: {  	[tilespmem:s31+$0xFFFFFFA0] =	vst v32;
	v27 =	vld.idx.msk [tilespmem:v27+s23+$0x0], $0xffff  }
0xc0: {  	v24 =	vshll.u32 v24, $0x6;
	v46 =	vor.u32 s14, v36;
	v54 =	vld.idx.msk [tilespmem:v44+s23+$0x0], $0xffff;
	[tilespmem:s31+$0x20] =	vst v41  }
0xc1: {  	v24 =	vand.u32 $0x40, v24;
	v26 =	vld.idx.msk [tilespmem:v26+s23+$0x0], $0xffff  }
0xc2: {  	v42 =	vld.idx.msk [tilespmem:v52+s23+$0x0], $0xffff;
	v33 =	vor.u32 v20, v24;
	v24 =	vadd.f32 v43, v28  }
0xc3: {  	s15 =	simm.s32 $0xCB80;
	v40 =	vld.idx.msk [tilespmem:v50+s23+$0x0], $0xffff;
	v55 =	vor.u32 s4, v33  }
0xc4: {  	v47 =	vor.u32 s2, v33;
	[tilespmem:s31+$0xFFFFFF20] =	vst v24;
	v24 =	vld [tilespmem:s15+$0x80]  }
0xc5: {  	v56 =	vld.idx.msk [tilespmem:v46+s23+$0x0], $0xffff;
	v27 =	vadd.f32 v27, v31  }
0xc6: {  	v48 =	vor.u32 s16, v33;
	v43 =	vadd.f32 v54, v30;
	v50 =	vadd.f32 v26, v29;
	v26 =	vld [tilespmem:s15+$0x0]  }
0xc7: {  	v58 =	vor.u32 s30, v37;
	[tilespmem:s31+$0xB0] =	vst v27;
	v27 =	vshll.u32 v25, $0x6;
	v25 =	vld [tilespmem:s15+$0xFFFFFF80]  }
0xc8: {  	v49 =	vor.u32 s14, v33;
	[tilespmem:s31+$0xFFFFFFB0] =	vst v43;
	v41 =	vld.idx.msk [tilespmem:v55+s23+$0x0], $0xffff  }
0xc9: {  	v52 =	vor.u32 s26, v37;
	v46 =	vadd.f32 v57, v24;
	v27 =	vand.u32 $0x40, v27;
	v47 =	vld.idx.msk [tilespmem:v47+s23+$0x0], $0xffff  }
0xca: {  	v60 =	vor.u32 s25, v37;
	s29 =	sadd.s32 $0x200, s31;
	v44 =	vadd.f32 v56, v28;
	[tilespmem:s31+$0x30] =	vst v50;
	v32 =	vor.u32 v21, v27;
	v27 =	vld [tilespmem:s15+$0xFFFFFF00]  }
0xcb: {  	[tilespmem:s29+$0x80] =	vst v46;
	v48 =	vld.idx.msk [tilespmem:v48+s23+$0x0], $0xffff;
	v59 =	vor.u32 s4, v32;
	v42 =	vadd.f32 v42, v26  }
0xcc: {  	[tilespmem:s31+$0xFFFFFF30] =	vst v44;
	v43 =	vld.idx.msk [tilespmem:v58+s23+$0x0], $0xffff;
	v56 =	vor.u32 s2, v32;
	v53 =	vadd.f32 v40, v25  }
0xcd: {  	s28 =	simm.s32 $0x8;
	v61 =	vor.u32 s24, v37;
	v49 =	vld.idx.msk [tilespmem:v49+s23+$0x0], $0xffff;
	v41 =	vadd.f32 v41, v31;
	[tilespmem:s29+$0x0] =	vst v42  }
0xce: {  	s0 =	simm.s32 $0x9;
	v51 =	vor.u32 s28, v35;
	v47 =	vadd.f32 v47, v30;
	[tilespmem:s29+$0xFFFFFF80] =	vst v53;
	v52 =	vld.idx.msk [tilespmem:v52+s23+$0x0], $0xffff  }
0xcf: {  	v58 =	vor.u32 s0, v35;
	v62 =	vadd.f32 v45, v27;
	[tilespmem:s31+$0xC0] =	vst v41;
	v44 =	vld.idx.msk [tilespmem:v60+s23+$0x0], $0xffff  }
0xd0: {  	v63 =	vor.u32 s16, v32;
	[tilespmem:s31+$0xFFFFFFC0] =	vst v47;
	v50 =	vld.idx.msk [tilespmem:v59+s23+$0x0], $0xffff  }
0xd1: {  	v34 =	vshll.u32 v34, $0x6;
	v57 =	vor.u32 s14, v32;
	v43 =	vadd.f32 v43, v24;
	[tilespmem:s29+$0xFFFFFF00] =	vst v62;
	v46 =	vld.idx.msk [tilespmem:v56+s23+$0x0], $0xffff  }
0xd2: {  	v34 =	vand.u32 $0x40, v34;
	v59 =	vadd.f32 v48, v29;
	v60 =	vld.idx.msk [tilespmem:v61+s23+$0x0], $0xffff;
	v61 =	vor.u32 s30, v39  }
0xd3: {  	v34 =	vor.u32 v22, v34;
	v54 =	vor.u32 s25, v39;
	v40 =	vld.idx.msk [tilespmem:v51+s23+$0x0], $0xffff;
	v49 =	vadd.f32 v49, v28;
	[tilespmem:s29+$0x90] =	vst v43  }
0xd4: {  	v41 =	vld.idx.msk [tilespmem:v58+s23+$0x0], $0xffff;
	v62 =	vor.u32 s4, v34;
	[tilespmem:s31+$0x40] =	vst v59;
	v58 =	vadd.f32 v52, v26  }
0xd5: {  	[tilespmem:s31+$0xFFFFFF40] =	vst v49;
	v45 =	vld.idx.msk [tilespmem:v63+s23+$0x0], $0xffff;
	v63 =	vor.u32 s26, v39;
	v44 =	vadd.f32 v44, v25  }
0xd6: {  	v42 =	vld.idx.msk [tilespmem:v57+s23+$0x0], $0xffff;
	v59 =	vor.u32 s2, v34;
	v50 =	vadd.f32 v50, v31;
	[tilespmem:s29+$0x10] =	vst v58  }
0xd7: {  	v57 =	vor.u32 s24, v39;
	v46 =	vadd.f32 v46, v30;
	v51 =	vld.idx.msk [tilespmem:v61+s23+$0x0], $0xffff;
	[tilespmem:s29+$0xFFFFFF90] =	vst v44  }
0xd8: {  	v48 =	vadd.f32 v60, v27;
	v60 =	vor.u32 s16, v34;
	[tilespmem:s31+$0xD0] =	vst v50;
	v50 =	vld.idx.msk [tilespmem:v54+s23+$0x0], $0xffff  }
0xd9: {  	s1 =	simm.s32 $0xA;
	v61 =	vor.u32 s14, v34;
	[tilespmem:s31+$0xFFFFFFD0] =	vst v46;
	v47 =	vld.idx.msk [tilespmem:v62+s23+$0x0], $0xffff  }
0xda: {  	v38 =	vshll.u32 v38, $0x6;
	v54 =	vor.u32 s1, v35;
	[tilespmem:s29+$0xFFFFFF10] =	vst v48;
	v48 =	vld.idx.msk [tilespmem:v63+s23+$0x0], $0xffff;
	v45 =	vadd.f32 v45, v29  }
0xdb: {  	v38 =	vand.u32 $0x40, v38;
	v42 =	vadd.f32 v42, v28;
	v62 =	vor.u32 s30, v36;
	v55 =	vld.idx.msk [tilespmem:v59+s23+$0x0], $0xffff  }
0xdc: {  	v38 =	vor.u32 v23, v38;
	v56 =	vor.u32 s25, v36;
	v49 =	vld.idx.msk [tilespmem:v57+s23+$0x0], $0xffff;
	[tilespmem:s31+$0x50] =	vst v45;
	v51 =	vadd.f32 v51, v24  }
0xdd: {  	v63 =	vor.u32 s4, v38;
	[tilespmem:s31+$0xFFFFFF50] =	vst v42;
	v42 =	vld.idx.msk [tilespmem:v60+s23+$0x0], $0xffff;
	v50 =	vadd.f32 v50, v25  }
0xde: {  	v60 =	vor.u32 s26, v36;
	v43 =	vld.idx.msk [tilespmem:v61+s23+$0x0], $0xffff;
	v61 =	vadd.f32 v47, v31;
	[tilespmem:s29+$0xA0] =	vst v51  }
0xdf: {  	v57 =	vor.u32 s24, v36;
	v45 =	vld.idx.msk [tilespmem:v54+s23+$0x0], $0xffff;
	v48 =	vadd.f32 v48, v26;
	[tilespmem:s29+$0xFFFFFFA0] =	vst v50  }
0xe0: {  	v46 =	vor.u32 s2, v38;
	v47 =	vld.idx.msk [tilespmem:v62+s23+$0x0], $0xffff;
	[tilespmem:s31+$0xE0] =	vst v61  }
0xe1: {  	v62 =	vadd.f32 v49, v27;
	v51 =	vld.idx.msk [tilespmem:v56+s23+$0x0], $0xffff;
	[tilespmem:s29+$0x20] =	vst v48;
	v48 =	vor.u32 s16, v38  }
0xe2: {  	v49 =	vor.u32 s14, v38;
	v52 =	vld.idx.msk [tilespmem:v63+s23+$0x0], $0xffff;
	v63 =	vadd.f32 v55, v30  }
0xe3: {  	s13 =	sshll.u32 s13, $0xD;
	s14 =	simm.s32 $0xB;
	[tilespmem:s29+$0xFFFFFF20] =	vst v62;
	v53 =	vld.idx.msk [tilespmem:v60+s23+$0x0], $0xffff;
	v54 =	vadd.f32 v42, v29  }
0xe4: {  	s13 =	sadd.s32 $0x16880, s13;
	s2 =	simm.s32 $0xC;
	v42 =	vor.u32 s14, v35;
	v55 =	vadd.f32 v43, v28;
	v50 =	vld.idx.msk [tilespmem:v57+s23+$0x0], $0xffff;
	[tilespmem:s31+$0xFFFFFFE0] =	vst v63  }
.LBB2_3:
0xe5: {  	p1 =	slt.u32 s2, $0x3C;
	v43 =	vor.u32 s30, v33;
	v44 =	vld.idx.msk [tilespmem:v46+s23+$0x0], $0xffff;
	[tilespmem:s31+$0x60] =	vst v54  }
0xe6: {  	v46 =	vadd.f32 v47, v24;
	[tilespmem:s31+$0xFFFFFF60] =	vst v55;
	v47 =	vld.idx.msk [tilespmem:v48+s23+$0x0], $0xffff  }
0xe7: {  	s15 =	sadd.s32 $0x200, s15;
	v48 =	vld.idx.msk [tilespmem:v49+s23+$0x0], $0xffff;
	v49 =	vadd.f32 v52, v31;
	v31 =	vmov v24  }
0xe8: {  	v51 =	vadd.f32 v51, v25;
	v24 =	vld [tilespmem:s15+$0x80];
	[tilespmem:s29+$0xB0] =	vst v46  }
0xe9: {  	v46 =	vor.u32 s25, v33;
	v52 =	vadd.f32 v53, v26;
	v42 =	vld.idx.msk [tilespmem:v42+s23+$0x0], $0xffff;
	[tilespmem:s31+$0xF0] =	vst v49  }
0xea: {  	v49 =	vadd.f32 v50, v27;
	v50 =	vor.u32 s26, v33;
	[tilespmem:s29+$0xFFFFFFB0] =	vst v51;
	v43 =	vld.idx.msk [tilespmem:v43+s23+$0x0], $0xffff  }
0xeb: {  	v51 =	vor.u32 s24, v33;
	v44 =	vadd.f32 v44, v30;
	v30 =	vmov v25;
	[tilespmem:s29+$0x30] =	vst v52;
	v25 =	vld [tilespmem:s15+$0xFFFFFF80]  }
0xec: {  	v52 =	vor.u32 s2, v35;
	v47 =	vadd.f32 v47, v29;
	v29 =	vmov v26;
	[tilespmem:s29+$0xFFFFFF30] =	vst v49;
	v26 =	vld [tilespmem:s15+$0x0]  }
0xed: {  	v49 =	vor.u32 s14, v37;
	v48 =	vadd.f32 v48, v28;
	v28 =	vmov v27;
	[tilespmem:s31+$0xFFFFFFF0] =	vst v44;
	v27 =	vld [tilespmem:s15+$0xFFFFFF00]  }
0xee: {  	v44 =	vld.idx.msk [tilespmem:v46+s23+$0x0], $0xffff;
	v46 =	vor.u32 s30, v32;
	[tilespmem:s31+$0x70] =	vst v47  }
0xef: {  	v47 =	vor.u32 s0, v37;
	v42 =	vadd.f32 v42, v24;
	v50 =	vld.idx.msk [tilespmem:v50+s23+$0x0], $0xffff;
	[tilespmem:s31+$0xFFFFFF70] =	vst v48;
	s31 =	smov.u32 s29  }
0xf0: {  	v48 =	vor.u32 s1, v37;
	v43 =	vadd.f32 v43, v31;
	s29 =	sadd.s32 $0x200, s29;
	v41 =	vadd.f32 v41, v25;
	v51 =	vld.idx.msk [tilespmem:v51+s23+$0x0], $0xffff  }
0xf1: {  	v53 =	vor.u32 s28, v37;
	v52 =	vld.idx.msk [tilespmem:v52+s23+$0x0], $0xffff;
	v45 =	vadd.f32 v45, v26;
	[tilespmem:s29+$0x80] =	vst v42  }
0xf2: {  	v40 =	vadd.f32 v40, v27;
	v42 =	vld.idx.msk [tilespmem:v49+s23+$0x0], $0xffff;
	v49 =	vor.u32 s25, v32;
	[tilespmem:s31+$0xC0] =	vst v43  }
0xf3: {  	[tilespmem:s29+$0xFFFFFF80] =	vst v41;
	v41 =	vor.u32 s26, v32;
	v43 =	vld.idx.msk [tilespmem:v46+s23+$0x0], $0xffff  }
0xf4: {  	s4 =	sadd.s32 $0x1, s2;
	v44 =	vadd.f32 v44, v30;
	v46 =	vld.idx.msk [tilespmem:v47+s23+$0x0], $0xffff;
	[tilespmem:s29+$0x0] =	vst v45;
	v45 =	vor.u32 s24, v32  }
0xf5: {  	v47 =	vor.u32 s4, v35;
	v54 =	vadd.f32 v50, v29;
	[tilespmem:s29+$0xFFFFFF00] =	vst v40;
	v48 =	vld.idx.msk [tilespmem:v48+s23+$0x0], $0xffff  }
0xf6: {  	v51 =	vadd.f32 v51, v28;
	v50 =	vld.idx.msk [tilespmem:v53+s23+$0x0], $0xffff;
	v53 =	vor.u32 s14, v39;
	[tilespmem:s31+$0xFFFFFFC0] =	vst v44  }
0xf7: {  	v40 =	vmov v52;
	v44 =	vld.idx.msk [tilespmem:v49+s23+$0x0], $0xffff;
	[tilespmem:s31+$0x40] =	vst v54;
	v49 =	vor.u32 s30, v34  }
0xf8: {  	v52 =	vor.u32 s0, v39;
	v42 =	vadd.f32 v42, v24;
	[tilespmem:s31+$0xFFFFFF40] =	vst v51;
	v51 =	vld.idx.msk [tilespmem:v41+s23+$0x0], $0xffff  }
0xf9: {  	v54 =	vor.u32 s1, v39;
	v43 =	vadd.f32 v43, v31;
	v45 =	vld.idx.msk [tilespmem:v45+s23+$0x0], $0xffff  }
0xfa: {  	v46 =	vadd.f32 v46, v25;
	v41 =	vld.idx.msk [tilespmem:v47+s23+$0x0], $0xffff;
	v47 =	vor.u32 s28, v39;
	[tilespmem:s29+$0x90] =	vst v42  }
0xfb: {  	v42 =	vadd.f32 v48, v26;
	v48 =	vld.idx.msk [tilespmem:v53+s23+$0x0], $0xffff;
	v53 =	vor.u32 s25, v34;
	[tilespmem:s31+$0xD0] =	vst v43  }
0xfc: {  	v43 =	vadd.f32 v50, v27;
	[tilespmem:s29+$0xFFFFFF90] =	vst v46;
	v46 =	vor.u32 s26, v34;
	v49 =	vld.idx.msk [tilespmem:v49+s23+$0x0], $0xffff  }
0xfd: {  	s16 =	sadd.s32 $0x2, s2;
	v44 =	vadd.f32 v44, v30;
	v50 =	vld.idx.msk [tilespmem:v52+s23+$0x0], $0xffff;
	[tilespmem:s29+$0x10] =	vst v42;
	v42 =	vor.u32 s24, v34  }
0xfe: {  	v52 =	vor.u32 s16, v35;
	v51 =	vadd.f32 v51, v29;
	[tilespmem:s29+$0xFFFFFF10] =	vst v43;
	v43 =	vld.idx.msk [tilespmem:v54+s23+$0x0], $0xffff  }
0xff: {  	v45 =	vadd.f32 v45, v28;
	v54 =	vld.idx.msk [tilespmem:v47+s23+$0x0], $0xffff;
	v47 =	vor.u32 s14, v36;
	[tilespmem:s31+$0xFFFFFFD0] =	vst v44  }
0x100: {  	v44 =	vld.idx.msk [tilespmem:v53+s23+$0x0], $0xffff;
	[tilespmem:s31+$0x50] =	vst v51;
	v51 =	vor.u32 s30, v38;
	s30 =	smov.u32 s14  }
0x101: {  	v53 =	vor.u32 s0, v36;
	v48 =	vadd.f32 v48, v24;
	[tilespmem:s31+$0xFFFFFF50] =	vst v45;
	v55 =	vld.idx.msk [tilespmem:v46+s23+$0x0], $0xffff  }
0x102: {  	v56 =	vor.u32 s1, v36;
	v57 =	vld.idx.msk [tilespmem:v42+s23+$0x0], $0xffff;
	v42 =	vadd.f32 v49, v31  }
0x103: {  	v58 =	vor.u32 s28, v36;
	v49 =	vadd.f32 v50, v25;
	v45 =	vld.idx.msk [tilespmem:v52+s23+$0x0], $0xffff;
	[tilespmem:s29+$0xA0] =	vst v48  }
.Ltmp0:
0x104: {  	v46 =	vor.u32 s25, v38;
	s25 =	smov.u32 s0;
	s0 =	smov.u32 s4;
	v43 =	vadd.f32 v43, v26;
	v47 =	vld.idx.msk [tilespmem:v47+s23+$0x0], $0xffff;
	[tilespmem:s31+$0xE0] =	vst v42;
	(pc) =	sbr.rel @p1 .LBB2_3-.Ltmp0, $4  }
0x105: {  	v48 =	vor.u32 s26, v38;
	s26 =	smov.u32 s1;
	s1 =	smov.u32 s16;
	v42 =	vadd.f32 v54, v27;
	[tilespmem:s29+$0xFFFFFFA0] =	vst v49;
	v52 =	vld.idx.msk [tilespmem:v51+s23+$0x0], $0xffff  }
0x106: {  	v49 =	vor.u32 s24, v38;
	s24 =	smov.u32 s28;
	s28 =	smov.u32 s2;
	v51 =	vld.idx.msk [tilespmem:v53+s23+$0x0], $0xffff;
	[tilespmem:s29+$0x20] =	vst v43;
	v43 =	vadd.f32 v44, v30  }
0x107: {  	s14 =	sadd.s32 $0x3, s2;
	v54 =	vadd.f32 v55, v29;
	[tilespmem:s29+$0xFFFFFF20] =	vst v42;
	v53 =	vld.idx.msk [tilespmem:v56+s23+$0x0], $0xffff  }
0x108: {  	s2 =	sadd.s32 $0x4, s2;
	v42 =	vor.u32 s14, v35;
	v55 =	vadd.f32 v57, v28;
	v50 =	vld.idx.msk [tilespmem:v58+s23+$0x0], $0xffff;
	[tilespmem:s31+$0xFFFFFFE0] =	vst v43  }
0x109: {  	_ =	sdelay $0x3  }
0x10a: {  	s2 =	sadd.s32 $0x200, s15;
	v56 =	vld.idx.msk [tilespmem:v42+s23+$0x0], $0xffff  }
0x10b: {  	v43 =	vld [tilespmem:s2+$0x80]  }
0x10c: {  	v44 =	vld [tilespmem:s2+$0xFFFFFF80]  }
0x10d: {  	v35 =	vld [tilespmem:s2+$0x0]  }
0x10e: {  	v57 =	vor.u32 s14, v37;
	v42 =	vld [tilespmem:s2+$0xFFFFFF00]  }
0x10f: {  	v58 =	vor.u32 s0, v37  }
0x110: {  	v59 =	vor.u32 s1, v37;
	v56 =	vadd.f32 v56, v43  }
0x111: {  	s16 =	sadd.s32 $0x200, s29;
	v62 =	vor.u32 s28, v37;
	v41 =	vadd.f32 v41, v44  }
0x112: {  	v45 =	vadd.f32 v45, v35;
	[tilespmem:s16+$0x80] =	vst v56  }
0x113: {  	v40 =	vadd.f32 v40, v42;
	[tilespmem:s16+$0xFFFFFF80] =	vst v41;
	v63 =	vld.idx.msk [tilespmem:v57+s23+$0x0], $0xffff  }
0x114: {  	[tilespmem:s16+$0x0] =	vst v45;
	v56 =	vld.idx.msk [tilespmem:v58+s23+$0x0], $0xffff  }
0x115: {  	[tilespmem:s16+$0xFFFFFF00] =	vst v40;
	v40 =	vld.idx.msk [tilespmem:v59+s23+$0x0], $0xffff  }
0x116: {  	v60 =	vor.u32 s14, v39;
	v37 =	vld.idx.msk [tilespmem:v62+s23+$0x0], $0xffff  }
0x117: {  	v61 =	vor.u32 s0, v39  }
0x118: {  	[tilespmem:s31+$0x60] =	vst v54;
	v62 =	vor.u32 s1, v39;
	v41 =	vadd.f32 v63, v43  }
0x119: {  	[tilespmem:s31+$0xFFFFFF60] =	vst v55;
	v63 =	vor.u32 s28, v39;
	v58 =	vadd.f32 v56, v44  }
0x11a: {  	v40 =	vadd.f32 v40, v35;
	[tilespmem:s16+$0x90] =	vst v41  }
0x11b: {  	v37 =	vadd.f32 v37, v42;
	[tilespmem:s16+$0xFFFFFF90] =	vst v58;
	v41 =	vld.idx.msk [tilespmem:v60+s23+$0x0], $0xffff  }
0x11c: {  	v31 =	vadd.f32 v52, v31;
	[tilespmem:s16+$0x10] =	vst v40;
	v60 =	vld.idx.msk [tilespmem:v61+s23+$0x0], $0xffff  }
0x11d: {  	v54 =	vadd.f32 v53, v26;
	[tilespmem:s16+$0xFFFFFF10] =	vst v37;
	v61 =	vld.idx.msk [tilespmem:v62+s23+$0x0], $0xffff  }
0x11e: {  	[tilespmem:s31+$0xF0] =	vst v31;
	v59 =	vadd.f32 v47, v24;
	v39 =	vld.idx.msk [tilespmem:v63+s23+$0x0], $0xffff;
	v63 =	vor.u32 s14, v36  }
0x11f: {  	v46 =	vld.idx.msk [tilespmem:v46+s23+$0x0], $0xffff;
	v55 =	vor.u32 s0, v36;
	[tilespmem:s29+$0x30] =	vst v54;
	v62 =	vadd.f32 v51, v25  }
0x120: {  	v48 =	vld.idx.msk [tilespmem:v48+s23+$0x0], $0xffff;
	[tilespmem:s29+$0xB0] =	vst v59;
	v56 =	vor.u32 s1, v36;
	v41 =	vadd.f32 v41, v43  }
0x121: {  	v57 =	vor.u32 s28, v36;
	[tilespmem:s29+$0xFFFFFFB0] =	vst v62;
	v45 =	vadd.f32 v60, v44  }
0x122: {  	v49 =	vld.idx.msk [tilespmem:v49+s23+$0x0], $0xffff;
	v59 =	vor.u32 s25, v33;
	v37 =	vadd.f32 v61, v35;
	[tilespmem:s16+$0xA0] =	vst v41  }
0x123: {  	v58 =	vor.u32 s30, v33;
	v39 =	vadd.f32 v39, v42;
	[tilespmem:s16+$0xFFFFFFA0] =	vst v45;
	v40 =	vld.idx.msk [tilespmem:v63+s23+$0x0], $0xffff  }
0x124: {  	v30 =	vadd.f32 v46, v30;
	v62 =	vor.u32 s24, v33;
	[tilespmem:s16+$0x20] =	vst v37;
	v31 =	vld.idx.msk [tilespmem:v55+s23+$0x0], $0xffff  }
0x125: {  	v29 =	vadd.f32 v48, v29;
	v61 =	vor.u32 s26, v33;
	v63 =	vld.idx.msk [tilespmem:v56+s23+$0x0], $0xffff;
	[tilespmem:s16+$0xFFFFFF20] =	vst v39  }
0x126: {  	v48 =	vor.u32 s14, v33;
	[tilespmem:s31+$0xFFFFFFF0] =	vst v30;
	v60 =	vadd.f32 v50, v27;
	v36 =	vld.idx.msk [tilespmem:v57+s23+$0x0], $0xffff  }
0x127: {  	v53 =	vor.u32 s0, v33;
	v28 =	vadd.f32 v49, v28;
	[tilespmem:s31+$0x70] =	vst v29;
	v41 =	vld.idx.msk [tilespmem:v59+s23+$0x0], $0xffff  }
0x128: {  	v52 =	vld.idx.msk [tilespmem:v58+s23+$0x0], $0xffff;
	[tilespmem:s29+$0xFFFFFF30] =	vst v60;
	v55 =	vor.u32 s1, v33;
	v54 =	vadd.f32 v40, v43  }
0x129: {  	[tilespmem:s31+$0xFFFFFF70] =	vst v28;
	v58 =	vor.u32 s28, v33;
	v37 =	vld.idx.msk [tilespmem:v62+s23+$0x0], $0xffff;
	v57 =	vadd.f32 v31, v44  }
0x12a: {  	v56 =	vld.idx.msk [tilespmem:v61+s23+$0x0], $0xffff;
	v61 =	vor.u32 s25, v32;
	v60 =	vadd.f32 v63, v35;
	[tilespmem:s16+$0xB0] =	vst v54  }
0x12b: {  	v59 =	vor.u32 s30, v32;
	v36 =	vadd.f32 v36, v42;
	[tilespmem:s16+$0xFFFFFFB0] =	vst v57;
	v62 =	vld.idx.msk [tilespmem:v48+s23+$0x0], $0xffff  }
0x12c: {  	v50 =	vor.u32 s24, v32;
	v41 =	vadd.f32 v41, v25;
	[tilespmem:s16+$0x30] =	vst v60;
	v49 =	vld.idx.msk [tilespmem:v53+s23+$0x0], $0xffff  }
0x12d: {  	v63 =	vadd.f32 v52, v24;
	v48 =	vor.u32 s26, v32;
	v51 =	vld.idx.msk [tilespmem:v55+s23+$0x0], $0xffff;
	[tilespmem:s16+$0xFFFFFF30] =	vst v36  }
0x12e: {  	v37 =	vadd.f32 v37, v27;
	[tilespmem:s29+$0xFFFFFFC0] =	vst v41;
	v53 =	vor.u32 s14, v32;
	v31 =	vld.idx.msk [tilespmem:v58+s23+$0x0], $0xffff  }
0x12f: {  	[tilespmem:s29+$0xC0] =	vst v63;
	v52 =	vadd.f32 v56, v26;
	v54 =	vor.u32 s0, v32;
	v39 =	vld.idx.msk [tilespmem:v61+s23+$0x0], $0xffff  }
0x130: {  	[tilespmem:s29+$0xFFFFFF40] =	vst v37;
	v33 =	vld.idx.msk [tilespmem:v59+s23+$0x0], $0xffff;
	v55 =	vor.u32 s1, v32;
	v28 =	vadd.f32 v62, v43  }
0x131: {  	v57 =	vor.u32 s28, v32;
	v30 =	vld.idx.msk [tilespmem:v50+s23+$0x0], $0xffff;
	[tilespmem:s29+$0x40] =	vst v52;
	v29 =	vadd.f32 v49, v44  }
0x132: {  	v60 =	vor.u32 s25, v34;
	v56 =	vld.idx.msk [tilespmem:v48+s23+$0x0], $0xffff;
	v59 =	vadd.f32 v51, v35;
	[tilespmem:s16+$0xC0] =	vst v28  }
0x133: {  	v58 =	vor.u32 s30, v34;
	v31 =	vadd.f32 v31, v42;
	[tilespmem:s16+$0xFFFFFFC0] =	vst v29;
	v45 =	vld.idx.msk [tilespmem:v53+s23+$0x0], $0xffff  }
0x134: {  	v63 =	vor.u32 s24, v34;
	v39 =	vadd.f32 v39, v25;
	[tilespmem:s16+$0x40] =	vst v59;
	v41 =	vld.idx.msk [tilespmem:v54+s23+$0x0], $0xffff  }
0x135: {  	v61 =	vadd.f32 v33, v24;
	v62 =	vor.u32 s26, v34;
	v48 =	vld.idx.msk [tilespmem:v55+s23+$0x0], $0xffff;
	[tilespmem:s16+$0xFFFFFF40] =	vst v31  }
0x136: {  	v50 =	vor.u32 s14, v34;
	v30 =	vadd.f32 v30, v27;
	[tilespmem:s29+$0xFFFFFFD0] =	vst v39;
	v32 =	vld.idx.msk [tilespmem:v57+s23+$0x0], $0xffff  }
0x137: {  	v52 =	vor.u32 s0, v34;
	[tilespmem:s29+$0xD0] =	vst v61;
	v36 =	vld.idx.msk [tilespmem:v60+s23+$0x0], $0xffff;
	v49 =	vadd.f32 v56, v26  }
0x138: {  	[tilespmem:s29+$0xFFFFFF50] =	vst v30;
	v51 =	vld.idx.msk [tilespmem:v58+s23+$0x0], $0xffff;
	v54 =	vor.u32 s1, v34;
	v53 =	vadd.f32 v45, v43  }
0x139: {  	v28 =	vld.idx.msk [tilespmem:v63+s23+$0x0], $0xffff;
	v56 =	vor.u32 s28, v34;
	[tilespmem:s29+$0x50] =	vst v49;
	v57 =	vadd.f32 v41, v44  }
0x13a: {  	v60 =	vor.u32 s25, v38;
	v55 =	vld.idx.msk [tilespmem:v62+s23+$0x0], $0xffff;
	v59 =	vadd.f32 v48, v35;
	[tilespmem:s16+$0xD0] =	vst v53  }
0x13b: {  	v58 =	vor.u32 s30, v38;
	v32 =	vadd.f32 v32, v42;
	[tilespmem:s16+$0xFFFFFFD0] =	vst v57;
	v37 =	vld.idx.msk [tilespmem:v50+s23+$0x0], $0xffff  }
0x13c: {  	v63 =	vor.u32 s24, v38;
	v36 =	vadd.f32 v36, v25;
	[tilespmem:s16+$0x50] =	vst v59;
	v39 =	vld.idx.msk [tilespmem:v52+s23+$0x0], $0xffff  }
0x13d: {  	v61 =	vadd.f32 v51, v24;
	v62 =	vor.u32 s26, v38;
	v46 =	vld.idx.msk [tilespmem:v54+s23+$0x0], $0xffff;
	[tilespmem:s16+$0xFFFFFF50] =	vst v32  }
0x13e: {  	v47 =	vor.u32 s14, v38;
	v28 =	vadd.f32 v28, v27;
	[tilespmem:s29+$0xFFFFFFE0] =	vst v36;
	v33 =	vld.idx.msk [tilespmem:v56+s23+$0x0], $0xffff  }
0x13f: {  	v48 =	vor.u32 s0, v38;
	[tilespmem:s29+$0xE0] =	vst v61;
	v31 =	vld.idx.msk [tilespmem:v60+s23+$0x0], $0xffff;
	v30 =	vadd.f32 v55, v26  }
0x140: {  	[tilespmem:s29+$0xFFFFFF60] =	vst v28;
	v41 =	vld.idx.msk [tilespmem:v58+s23+$0x0], $0xffff;
	v50 =	vor.u32 s1, v38;
	v49 =	vadd.f32 v37, v43  }
0x141: {  	v52 =	vor.u32 s28, v38;
	v29 =	vld.idx.msk [tilespmem:v63+s23+$0x0], $0xffff;
	[tilespmem:s29+$0x60] =	vst v30;
	v39 =	vadd.f32 v39, v44  }
0x142: {  	v51 =	vld.idx.msk [tilespmem:v62+s23+$0x0], $0xffff;
	v53 =	vadd.f32 v46, v35;
	[tilespmem:s16+$0xE0] =	vst v49  }
0x143: {  	v33 =	vadd.f32 v33, v42;
	[tilespmem:s16+$0xFFFFFFE0] =	vst v39;
	v54 =	vld.idx.msk [tilespmem:v47+s23+$0x0], $0xffff  }
0x144: {  	v57 =	vadd.f32 v31, v25;
	[tilespmem:s16+$0x60] =	vst v53;
	v56 =	vld.idx.msk [tilespmem:v48+s23+$0x0], $0xffff  }
0x145: {  	v55 =	vadd.f32 v41, v24;
	v30 =	vld.idx.msk [tilespmem:v50+s23+$0x0], $0xffff;
	[tilespmem:s16+$0xFFFFFF60] =	vst v33  }
0x146: {  	v60 =	vadd.f32 v29, v27;
	[tilespmem:s29+$0xFFFFFFF0] =	vst v57;
	v59 =	vld.idx.msk [tilespmem:v52+s23+$0x0], $0xffff  }
0x147: {  	[tilespmem:s29+$0xF0] =	vst v55;
	v58 =	vadd.f32 v51, v26  }
0x148: {  	[tilespmem:s29+$0xFFFFFF70] =	vst v60;
	v61 =	vadd.f32 v54, v43  }
0x149: {  	p1 =	sne.s32 s21, $0x32;
	[tilespmem:s29+$0x70] =	vst v58;
	v62 =	vadd.f32 v56, v44  }
.Ltmp1:
0x14a: {  	v63 =	vadd.f32 v30, v35;
	[tilespmem:s16+$0xF0] =	vst v61;
	(pc) =	sbr.rel @p1 .LBB2_2-.Ltmp1, $4  }
0x14b: {  	v26 =	vadd.f32 v59, v42;
	[tilespmem:s16+$0xFFFFFFF0] =	vst v62  }
0x14c: {  	s31 =	sshll.u32 s20, $0xD;
	[tilespmem:s16+$0x70] =	vst v63  }
0x14d: {  	p0 =	por !p0, !p0;
	s0 =	sadd.s32 s31, s8;
	[tilespmem:s16+$0xFFFFFF70] =	vst v26  }
0x14e: {  	[hbm4b:s0+s10] =	stream.strided.scatter [tilespmem:s13], [sflag:s22], $0x2000, s11, s10, $0x38;
	[tilespmem:$0x1A880] =	vst v63  }
0x14f: {  	s19 =	sadd.s32 $0x1, s19  }
0x150: {  	_ =	swait.ge [sflag:s17], $0x2000;
	p0 =	sne.s32 s19, s9  }
.Ltmp2:
0x151: {  	[sflag:s17] =	ssyncset.done $0x0;
	(pc) =	sbr.rel @p0 .LBB2_1-.Ltmp2, $4  }
0x152: {  	[sflag:s17] =	ssyncadd.s32 $0xFFFFE000  }
0x153: {  	_ =	swait.ge [sflag:s18], $0x2000  }
0x154: {  	[sflag:s18] =	ssyncset.done $0x0  }
0x155: {  	[sflag:s18] =	ssyncadd.s32 $0xFFFFE000  }
0x156: {  	_ =	sfence.sel $0x180000  }
0x157: {  	[bflag:$0x0] =	sbarrier.arrive $0xFFFF  }
0x158: {  	_ =	strace $0x90000047  }
0x159: {  	s0 =	stileid.u32;
	[bflag:$0x2] =	sbarrier.arrive $0xFFFF  }
0x15a: {  	p0 =	sne.s32 s0, $0x0;
	s0 =	rddreg [dreg:$0x3]  }
0x15b: {  	s0 =	sadd.s32 @!p0 $0x100000, s0  }
0x15c: {  	[sflag:s0] =	ssyncadd.tile.s32 @!p0 $0x1;
	_ =	shalt  }
.Lfunc_end2:
_tile_overlayer_lowered:
.L_overlay_start_2:
0x15d: {  	(tag) =	ssettag $0x2  }
0x15e: {  	s0 =	rddreg [dreg:$0x0];
	s2 =	stileid.u32  }
0x15f: {  	s1 =	rddreg [dreg:$0x1];
	p0 =	sne.s32 s2, $0x0  }
0x160: {  	s3 =	rddreg [dreg:$0x2];
	[bflag:$0x3] =	sbarrier.arrive $0xFFFF;
	s2 =	simm.s32 @!p0 $0x1C05  }
0x161: {  	[timem:s3], [sflag:s2] =	dma.local @!p0 [hbm:s0], s1  }
0x162: {  	s0 =	simm.s32 @!p0 $0x5  }
0x163: {  	_ =	swait.ge @!p0 [sflag:s0], s1  }
0x164: {  	s1 =	ssub.s32 @!p0 $0x0, s1;
	[sflag:s0] =	ssyncset.done @!p0 $0x0  }
0x165: {  	[sflag:s0] =	ssyncadd.s32 @!p0 s1  }
0x166: {  	[bflag:$0x3] =	sbarrier.arrive $0xFFFF  }
0x167: {  	_ =	shalt  }

</sc_bundles>
